<compile_context>
chip_gen: v7x
topology: tpu7x:2x2x1
jax: 0.10.2.dev20260603
libtpu: 0.0.44.dev20260713+nightly
codegen_flags: <defaults>
</compile_context>

<pallas_src>
import functools

import jax
import jax.numpy as jnp
from jax import lax
from jax.experimental import pallas as pl
from jax.experimental.pallas import tpu as pltpu
from jax.experimental.pallas import tpu_sc as plsc

V = 100000
D = 64
S = 200
B = 4096
OUT = 2

VP = 102400
BV = 25600
NG = 16
BG = B // NG
NJ = BG // 16
NCHUNK = 5
CS = S // NCHUNK
TWC = VP // NG


def _project_table(w, table_t, b):
    def body(w_ref, t_ref, b_ref, tw0_ref, tw1_ref):
        t = t_ref[...]
        col = pl.program_id(0) * BV + lax.broadcasted_iota(jnp.int32, (1, BV), 1)
        for c, out_ref in ((0, tw0_ref), (1, tw1_ref)):
            res = lax.dot_general(
                w_ref[c:c + 1, :], t, (((1,), (0,)), ((), ())),
                preferred_element_type=jnp.float32)
            res = jnp.where(col == 0, 0.0, res) + b_ref[c]
            out_ref[...] = jnp.reshape(res, (BV,))

    return pl.pallas_call(
        body,
        grid=(VP // BV,),
        in_specs=[
            pl.BlockSpec((OUT, D), lambda i: (0, 0)),
            pl.BlockSpec((D, BV), lambda i: (0, i)),
            pl.BlockSpec(memory_space=pltpu.SMEM),
        ],
        out_specs=[
            pl.BlockSpec((BV,), lambda i: (i,)),
            pl.BlockSpec((BV,), lambda i: (i,)),
        ],
        out_shape=[
            jax.ShapeDtypeStruct((VP,), jnp.float32),
            jax.ShapeDtypeStruct((VP,), jnp.float32),
        ],
        compiler_params=pltpu.CompilerParams(
            dimension_semantics=("arbitrary",)),
    )(w, table_t, b)


def _gather_avg(tw0, tw1, text):
    mesh = plsc.VectorSubcoreMesh(core_axis_name="c", subcore_axis_name="s")

    @functools.partial(
        pl.kernel,
        mesh=mesh,
        compiler_params=pltpu.CompilerParams(
            needs_layout_passes=False, disable_bounds_checks=True),
        out_type=jax.ShapeDtypeStruct((OUT * B,), jnp.float32),
        scratch_types=[
            pltpu.VMEM((VP,), jnp.float32),
            pltpu.VMEM_SHARED((VP,), jnp.float32),
            pltpu.VMEM((2, CS, BG), jnp.int32),
            pltpu.VMEM((BG,), jnp.float32),
            pltpu.SemaphoreType.DMA,
            pltpu.SemaphoreType.DMA,
        ],
    )
    def k(tw0_hbm, tw1_hbm, text_hbm, out_hbm,
          tw_v, tw_sh, text_v, acc_v, sem0, sem1):
        c = lax.axis_index("c")
        g = lax.axis_index("s")
        goff = pl.multiple_of(g * BG, 128)
        sems = (sem0, sem1)
        cps = [None, None]
        cps[0] = pltpu.async_copy(
            text_hbm.at[pl.ds(0, CS), pl.ds(goff, BG)], text_v.at[0], sem0)

        seg = pl.multiple_of(g * TWC, 128)

        @pl.when(c == 0)
        def _():
            pltpu.sync_copy(tw0_hbm.at[pl.ds(seg, TWC)],
                            tw_v.at[pl.ds(seg, TWC)])

        @pl.when(c == 1)
        def _():
            pltpu.sync_copy(tw1_hbm.at[pl.ds(seg, TWC)],
                            tw_v.at[pl.ds(seg, TWC)])

        pltpu.sync_copy(tw_v.at[pl.ds(seg, TWC)], tw_sh.at[pl.ds(seg, TWC)])
        plsc.subcore_barrier()
        pltpu.sync_copy(tw_sh, tw_v)

        acc = tuple(jnp.zeros((16,), jnp.float32) for _ in range(NJ))
        for kk in range(NCHUNK):
            buf = kk % 2
            cps[buf].wait()
            if kk + 1 < NCHUNK:
                cps[1 - buf] = pltpu.async_copy(
                    text_hbm.at[pl.ds((kk + 1) * CS, CS), pl.ds(goff, BG)],
                    text_v.at[1 - buf], sems[1 - buf])

            def s_body(si, carry):
                out = []
                for j in range(NJ):
                    idx = text_v[buf, si, pl.ds(16 * j, 16)]
                    vals = plsc.load_gather(tw_v, [idx])
                    out.append(carry[j] + vals)
                return tuple(out)

            acc = plsc.parallel_loop(0, CS, unroll=2, carry=acc)(s_body)

        for j in range(NJ):
            acc_v[pl.ds(16 * j, 16)] = acc[j] * (1.0 / S)
        pltpu.sync_copy(
            acc_v, out_hbm.at[pl.ds(pl.multiple_of(c * B + g * BG, 128), BG)])

    return k(tw0, tw1, text)


def kernel(text, table, W, b):
    tw0, tw1 = _project_table(W, table.T, b)
    out_flat = _gather_avg(tw0, tw1, text)
    return out_flat.reshape(OUT, B).T

# --- scband reference (transcript-rebuilt; emitter-appended) ---
"""Pipeline reference for scband-word-avg-2826088481102 (READ-ONLY COPY).

The authoritative reference and input builder live on the scoring server;
editing this copy changes nothing except your own understanding.
"""

import jax, jax.numpy as jnp
import numpy as np

V = 100000
D = 64
S = 200
B = 4096
OUT = 2
PAD = 0


def setup_inputs(seed: int = 0) -> dict:
    key = jax.random.key(seed)
    k1, k2, k3, k4 = jax.random.split(key, 4)
    text = jax.random.randint(k1, (S, B), 0, V, dtype=jnp.int32)
    table = jax.random.normal(k2, (V, D), dtype=jnp.float32)
    # padding_idx row is zero-initialized in nn.Embedding
    table = table.at[PAD].set(0.0)
    W = jax.random.normal(k3, (OUT, D), dtype=jnp.float32) * 0.05
    b = jax.random.normal(k4, (OUT,), dtype=jnp.float32) * 0.05
    return {"text": text, "table": table, "W": W, "b": b}


def reference(text, table, W, b):
    # nn.Embedding with padding_idx: pad row contributes zeros
    table_eff = table.at[PAD].set(0.0)
    embed = jnp.take(table_eff, text, axis=0)        # [S, B, D]
    embed = jnp.transpose(embed, (1, 0, 2))          # [B, S, D]
    # F.avg_pool2d over (S, 1) kernel == mean over sequence axis
    pooled = jnp.mean(embed, axis=1)                 # [B, D]
    out = pooled @ W.T + b                           # [B, OUT]
    return out

if __name__ == "__main__":
    import jax
    _d = setup_inputs()
    print(jax.jit(kernel)(*tuple(_d.values())))

</pallas_src>

<mosaic_0001>
#map = affine_map<(d0, d1) -> (0)>
#map1 = affine_map<(d0, d1) -> (0, 0)>
module attributes {stable_mosaic.version = 14 : i64} {
  func.func @k(%arg0: i32, %arg1: i32, %arg2: memref<102400xf32, #tpu.memory_space<hbm>>, %arg3: memref<102400xf32, #tpu.memory_space<hbm>>, %arg4: memref<200x4096xi32, #tpu.memory_space<hbm>>, %arg5: memref<8192xf32, #tpu.memory_space<hbm>>, %arg6: memref<102400xf32, #tpu.memory_space<vmem>>, %arg7: memref<102400xf32, #tpu.memory_space<vmem_shared>>, %arg8: memref<2x40x256xi32, #tpu.memory_space<vmem>>, %arg9: memref<256xf32, #tpu.memory_space<vmem>>, %arg10: memref<!tpu.dma_semaphore, #tpu.memory_space<semaphore_mem>>, %arg11: memref<!tpu.dma_semaphore, #tpu.memory_space<semaphore_mem>>) attributes {dimension_semantics = [#tpu.dimension_semantics<core_parallel>, #tpu.dimension_semantics<subcore_parallel>], iteration_bounds = array<i64: 2, 16>, scalar_prefetch = 0 : i64, scratch_operands = 6 : i64, tpu.core_type = #tpu.core_type<sc_vector_subcore>, window_params = [{transform_indices = #map}, {transform_indices = #map}, {transform_indices = #map1}, {transform_indices = #map}]} {
    %mul3A = arith.constant 256 : i32
    %mul3A_0 = arith.muli %arg1, %mul3A : i32
    %multiple_of3A = tpu.assume_multiple %mul3A_0, 128 : i32
    %dma_start3A = arith.constant 0 : i32
    %dma_start3A_1 = arith.constant 0 : i32
    %dma_start3A_2 = arith.constant 0 : i32
    %dma_start3A_3 = tpu.memref_slice %arg8[%dma_start3A, %dma_start3A_1, %dma_start3A_2] : memref<2x40x256xi32, #tpu.memory_space<vmem>> -> memref<1x40x256xi32, #tpu.memory_space<vmem>>
    %dma_start3A_4 = tpu.memref_squeeze %dma_start3A_3 : memref<1x40x256xi32, #tpu.memory_space<vmem>> -> memref<40x256xi32, #tpu.memory_space<vmem>>
    %dma_start3A_5 = arith.constant 0 : i32
    %dma_start3A_6 = tpu.memref_slice %arg4[%dma_start3A_5, %multiple_of3A] : memref<200x4096xi32, #tpu.memory_space<hbm>> -> memref<40x256xi32, #tpu.memory_space<hbm>>
    %dma_start3A_7 = arith.constant 0 : i32
    %dma_start3A_8 = arith.constant 0 : i32
    %dma_start3A_9 = tpu.memref_slice %arg8[%dma_start3A, %dma_start3A_7, %dma_start3A_8] : memref<2x40x256xi32, #tpu.memory_space<vmem>> -> memref<1x40x256xi32, #tpu.memory_space<vmem>>
    %dma_start3A_10 = tpu.memref_squeeze %dma_start3A_9 : memref<1x40x256xi32, #tpu.memory_space<vmem>> -> memref<40x256xi32, #tpu.memory_space<vmem>>
    %dma_start3A_11 = arith.constant 0 : i32
    %dma_start3A_12 = tpu.memref_slice %arg4[%dma_start3A_11, %multiple_of3A] : memref<200x4096xi32, #tpu.memory_space<hbm>> -> memref<40x256xi32, #tpu.memory_space<hbm>>
    tpu.enqueue_dma source(%dma_start3A_12 : memref<40x256xi32, #tpu.memory_space<hbm>>) target(%dma_start3A_10 : memref<40x256xi32, #tpu.memory_space<vmem>>) target_semaphore(%arg10 : memref<!tpu.dma_semaphore, #tpu.memory_space<semaphore_mem>>)
    %mul3A_13 = arith.constant 6400 : i32
    %mul3A_14 = arith.muli %arg1, %mul3A_13 : i32
    %multiple_of3A_15 = tpu.assume_multiple %mul3A_14, 128 : i32
    %eq3A = arith.constant 0 : i32
    %eq3A_16 = arith.cmpi eq, %arg0, %eq3A : i32
    %convert_element_type3A = arith.extui %eq3A_16 : i1 to i32
    %cond3A = arith.constant 0 : i32
    %cond3A_17 = arith.cmpi ne, %convert_element_type3A, %cond3A : i32
    scf.if %cond3A_17 {
      "tpu.region"() ({
        %run_scoped3A = tpu.sem_alloc : memref<!tpu.dma_semaphore, #tpu.memory_space<semaphore_mem>>
        %dma_start3A_273 = tpu.memref_slice %arg6[%multiple_of3A_15] : memref<102400xf32, #tpu.memory_space<vmem>> -> memref<6400xf32, #tpu.memory_space<vmem>>
        %dma_start3A_274 = tpu.memref_slice %arg2[%multiple_of3A_15] : memref<102400xf32, #tpu.memory_space<hbm>> -> memref<6400xf32, #tpu.memory_space<hbm>>
        %dma_start3A_275 = tpu.memref_slice %arg6[%multiple_of3A_15] : memref<102400xf32, #tpu.memory_space<vmem>> -> memref<6400xf32, #tpu.memory_space<vmem>>
        %dma_start3A_276 = tpu.memref_slice %arg2[%multiple_of3A_15] : memref<102400xf32, #tpu.memory_space<hbm>> -> memref<6400xf32, #tpu.memory_space<hbm>>
        tpu.enqueue_dma source(%dma_start3A_276 : memref<6400xf32, #tpu.memory_space<hbm>>) target(%dma_start3A_275 : memref<6400xf32, #tpu.memory_space<vmem>>) target_semaphore(%run_scoped3A : memref<!tpu.dma_semaphore, #tpu.memory_space<semaphore_mem>>)
        %dma_wait3A_277 = tpu.memref_slice %arg6[%multiple_of3A_15] : memref<102400xf32, #tpu.memory_space<vmem>> -> memref<6400xf32, #tpu.memory_space<vmem>>
        %dma_wait3A_278 = tpu.memref_slice %arg2[%multiple_of3A_15] : memref<102400xf32, #tpu.memory_space<hbm>> -> memref<6400xf32, #tpu.memory_space<hbm>>
        %dma_wait3A_279 = tpu.memref_slice %arg6[%multiple_of3A_15] : memref<102400xf32, #tpu.memory_space<vmem>> -> memref<6400xf32, #tpu.memory_space<vmem>>
        %dma_wait3A_280 = tpu.memref_slice %arg2[%multiple_of3A_15] : memref<102400xf32, #tpu.memory_space<hbm>> -> memref<6400xf32, #tpu.memory_space<hbm>>
        tpu.wait_dma2 semaphore(%run_scoped3A : memref<!tpu.dma_semaphore, #tpu.memory_space<semaphore_mem>>) src(%dma_wait3A_280 : memref<6400xf32, #tpu.memory_space<hbm>>) dst(%dma_wait3A_279 : memref<6400xf32, #tpu.memory_space<vmem>>)
        tpu.yield
      }) : () -> ()
    } else {
    }
    %eq3A_18 = arith.constant 1 : i32
    %eq3A_19 = arith.cmpi eq, %arg0, %eq3A_18 : i32
    %convert_element_type3A_20 = arith.extui %eq3A_19 : i1 to i32
    %cond3A_21 = arith.constant 0 : i32
    %cond3A_22 = arith.cmpi ne, %convert_element_type3A_20, %cond3A_21 : i32
    scf.if %cond3A_22 {
      "tpu.region"() ({
        %run_scoped3A = tpu.sem_alloc : memref<!tpu.dma_semaphore, #tpu.memory_space<semaphore_mem>>
        %dma_start3A_273 = tpu.memref_slice %arg6[%multiple_of3A_15] : memref<102400xf32, #tpu.memory_space<vmem>> -> memref<6400xf32, #tpu.memory_space<vmem>>
        %dma_start3A_274 = tpu.memref_slice %arg3[%multiple_of3A_15] : memref<102400xf32, #tpu.memory_space<hbm>> -> memref<6400xf32, #tpu.memory_space<hbm>>
        %dma_start3A_275 = tpu.memref_slice %arg6[%multiple_of3A_15] : memref<102400xf32, #tpu.memory_space<vmem>> -> memref<6400xf32, #tpu.memory_space<vmem>>
        %dma_start3A_276 = tpu.memref_slice %arg3[%multiple_of3A_15] : memref<102400xf32, #tpu.memory_space<hbm>> -> memref<6400xf32, #tpu.memory_space<hbm>>
        tpu.enqueue_dma source(%dma_start3A_276 : memref<6400xf32, #tpu.memory_space<hbm>>) target(%dma_start3A_275 : memref<6400xf32, #tpu.memory_space<vmem>>) target_semaphore(%run_scoped3A : memref<!tpu.dma_semaphore, #tpu.memory_space<semaphore_mem>>)
        %dma_wait3A_277 = tpu.memref_slice %arg6[%multiple_of3A_15] : memref<102400xf32, #tpu.memory_space<vmem>> -> memref<6400xf32, #tpu.memory_space<vmem>>
        %dma_wait3A_278 = tpu.memref_slice %arg3[%multiple_of3A_15] : memref<102400xf32, #tpu.memory_space<hbm>> -> memref<6400xf32, #tpu.memory_space<hbm>>
        %dma_wait3A_279 = tpu.memref_slice %arg6[%multiple_of3A_15] : memref<102400xf32, #tpu.memory_space<vmem>> -> memref<6400xf32, #tpu.memory_space<vmem>>
        %dma_wait3A_280 = tpu.memref_slice %arg3[%multiple_of3A_15] : memref<102400xf32, #tpu.memory_space<hbm>> -> memref<6400xf32, #tpu.memory_space<hbm>>
        tpu.wait_dma2 semaphore(%run_scoped3A : memref<!tpu.dma_semaphore, #tpu.memory_space<semaphore_mem>>) src(%dma_wait3A_280 : memref<6400xf32, #tpu.memory_space<hbm>>) dst(%dma_wait3A_279 : memref<6400xf32, #tpu.memory_space<vmem>>)
        tpu.yield
      }) : () -> ()
    } else {
    }
    "tpu.region"() ({
      %run_scoped3A = tpu.sem_alloc : memref<!tpu.dma_semaphore, #tpu.memory_space<semaphore_mem>>
      %dma_start3A_273 = tpu.memref_slice %arg6[%multiple_of3A_15] : memref<102400xf32, #tpu.memory_space<vmem>> -> memref<6400xf32, #tpu.memory_space<vmem>>
      %dma_start3A_274 = tpu.memref_slice %arg7[%multiple_of3A_15] : memref<102400xf32, #tpu.memory_space<vmem_shared>> -> memref<6400xf32, #tpu.memory_space<vmem_shared>>
      %dma_start3A_275 = tpu.memref_slice %arg7[%multiple_of3A_15] : memref<102400xf32, #tpu.memory_space<vmem_shared>> -> memref<6400xf32, #tpu.memory_space<vmem_shared>>
      %dma_start3A_276 = tpu.memref_slice %arg6[%multiple_of3A_15] : memref<102400xf32, #tpu.memory_space<vmem>> -> memref<6400xf32, #tpu.memory_space<vmem>>
      tpu.enqueue_dma source(%dma_start3A_276 : memref<6400xf32, #tpu.memory_space<vmem>>) target(%dma_start3A_275 : memref<6400xf32, #tpu.memory_space<vmem_shared>>) target_semaphore(%run_scoped3A : memref<!tpu.dma_semaphore, #tpu.memory_space<semaphore_mem>>)
      %dma_wait3A_277 = tpu.memref_slice %arg6[%multiple_of3A_15] : memref<102400xf32, #tpu.memory_space<vmem>> -> memref<6400xf32, #tpu.memory_space<vmem>>
      %dma_wait3A_278 = tpu.memref_slice %arg7[%multiple_of3A_15] : memref<102400xf32, #tpu.memory_space<vmem_shared>> -> memref<6400xf32, #tpu.memory_space<vmem_shared>>
      %dma_wait3A_279 = tpu.memref_slice %arg7[%multiple_of3A_15] : memref<102400xf32, #tpu.memory_space<vmem_shared>> -> memref<6400xf32, #tpu.memory_space<vmem_shared>>
      %dma_wait3A_280 = tpu.memref_slice %arg6[%multiple_of3A_15] : memref<102400xf32, #tpu.memory_space<vmem>> -> memref<6400xf32, #tpu.memory_space<vmem>>
      tpu.wait_dma2 semaphore(%run_scoped3A : memref<!tpu.dma_semaphore, #tpu.memory_space<semaphore_mem>>) src(%dma_wait3A_280 : memref<6400xf32, #tpu.memory_space<vmem>>) dst(%dma_wait3A_279 : memref<6400xf32, #tpu.memory_space<vmem_shared>>)
      tpu.yield
    }) : () -> ()
    %barrier3A = arith.constant 0 : index
    tpu.barrier barrier_id(%barrier3A)
    "tpu.region"() ({
      %run_scoped3A = tpu.sem_alloc : memref<!tpu.dma_semaphore, #tpu.memory_space<semaphore_mem>>
      tpu.enqueue_dma source(%arg7 : memref<102400xf32, #tpu.memory_space<vmem_shared>>) target(%arg6 : memref<102400xf32, #tpu.memory_space<vmem>>) target_semaphore(%run_scoped3A : memref<!tpu.dma_semaphore, #tpu.memory_space<semaphore_mem>>)
      tpu.wait_dma2 semaphore(%run_scoped3A : memref<!tpu.dma_semaphore, #tpu.memory_space<semaphore_mem>>) src(%arg7 : memref<102400xf32, #tpu.memory_space<vmem_shared>>) dst(%arg6 : memref<102400xf32, #tpu.memory_space<vmem>>)
      tpu.yield
    }) : () -> ()
    %broadcast_in_dim3A = arith.constant 0.000000e+00 : f32
    %broadcast_in_dim3A_23 = vector.broadcast %broadcast_in_dim3A : f32 to vector<16xf32>
    %broadcast_in_dim3A_24 = arith.constant 0.000000e+00 : f32
    %broadcast_in_dim3A_25 = vector.broadcast %broadcast_in_dim3A_24 : f32 to vector<16xf32>
    %broadcast_in_dim3A_26 = arith.constant 0.000000e+00 : f32
    %broadcast_in_dim3A_27 = vector.broadcast %broadcast_in_dim3A_26 : f32 to vector<16xf32>
    %broadcast_in_dim3A_28 = arith.constant 0.000000e+00 : f32
    %broadcast_in_dim3A_29 = vector.broadcast %broadcast_in_dim3A_28 : f32 to vector<16xf32>
    %broadcast_in_dim3A_30 = arith.constant 0.000000e+00 : f32
    %broadcast_in_dim3A_31 = vector.broadcast %broadcast_in_dim3A_30 : f32 to vector<16xf32>
    %broadcast_in_dim3A_32 = arith.constant 0.000000e+00 : f32
    %broadcast_in_dim3A_33 = vector.broadcast %broadcast_in_dim3A_32 : f32 to vector<16xf32>
    %broadcast_in_dim3A_34 = arith.constant 0.000000e+00 : f32
    %broadcast_in_dim3A_35 = vector.broadcast %broadcast_in_dim3A_34 : f32 to vector<16xf32>
    %broadcast_in_dim3A_36 = arith.constant 0.000000e+00 : f32
    %broadcast_in_dim3A_37 = vector.broadcast %broadcast_in_dim3A_36 : f32 to vector<16xf32>
    %broadcast_in_dim3A_38 = arith.constant 0.000000e+00 : f32
    %broadcast_in_dim3A_39 = vector.broadcast %broadcast_in_dim3A_38 : f32 to vector<16xf32>
    %broadcast_in_dim3A_40 = arith.constant 0.000000e+00 : f32
    %broadcast_in_dim3A_41 = vector.broadcast %broadcast_in_dim3A_40 : f32 to vector<16xf32>
    %broadcast_in_dim3A_42 = arith.constant 0.000000e+00 : f32
    %broadcast_in_dim3A_43 = vector.broadcast %broadcast_in_dim3A_42 : f32 to vector<16xf32>
    %broadcast_in_dim3A_44 = arith.constant 0.000000e+00 : f32
    %broadcast_in_dim3A_45 = vector.broadcast %broadcast_in_dim3A_44 : f32 to vector<16xf32>
    %broadcast_in_dim3A_46 = arith.constant 0.000000e+00 : f32
    %broadcast_in_dim3A_47 = vector.broadcast %broadcast_in_dim3A_46 : f32 to vector<16xf32>
    %broadcast_in_dim3A_48 = arith.constant 0.000000e+00 : f32
    %broadcast_in_dim3A_49 = vector.broadcast %broadcast_in_dim3A_48 : f32 to vector<16xf32>
    %broadcast_in_dim3A_50 = arith.constant 0.000000e+00 : f32
    %broadcast_in_dim3A_51 = vector.broadcast %broadcast_in_dim3A_50 : f32 to vector<16xf32>
    %broadcast_in_dim3A_52 = arith.constant 0.000000e+00 : f32
    %broadcast_in_dim3A_53 = vector.broadcast %broadcast_in_dim3A_52 : f32 to vector<16xf32>
    %dma_wait3A = arith.constant 0 : i32
    %dma_wait3A_54 = arith.constant 0 : i32
    %dma_wait3A_55 = arith.constant 0 : i32
    %dma_wait3A_56 = tpu.memref_slice %arg8[%dma_wait3A, %dma_wait3A_54, %dma_wait3A_55] : memref<2x40x256xi32, #tpu.memory_space<vmem>> -> memref<1x40x256xi32, #tpu.memory_space<vmem>>
    %dma_wait3A_57 = tpu.memref_squeeze %dma_wait3A_56 : memref<1x40x256xi32, #tpu.memory_space<vmem>> -> memref<40x256xi32, #tpu.memory_space<vmem>>
    %dma_wait3A_58 = arith.constant 0 : i32
    %dma_wait3A_59 = tpu.memref_slice %arg4[%dma_wait3A_58, %multiple_of3A] : memref<200x4096xi32, #tpu.memory_space<hbm>> -> memref<40x256xi32, #tpu.memory_space<hbm>>
    %dma_wait3A_60 = arith.constant 0 : i32
    %dma_wait3A_61 = arith.constant 0 : i32
    %dma_wait3A_62 = tpu.memref_slice %arg8[%dma_wait3A, %dma_wait3A_60, %dma_wait3A_61] : memref<2x40x256xi32, #tpu.memory_space<vmem>> -> memref<1x40x256xi32, #tpu.memory_space<vmem>>
    %dma_wait3A_63 = tpu.memref_squeeze %dma_wait3A_62 : memref<1x40x256xi32, #tpu.memory_space<vmem>> -> memref<40x256xi32, #tpu.memory_space<vmem>>
    %dma_wait3A_64 = arith.constant 0 : i32
    %dma_wait3A_65 = tpu.memref_slice %arg4[%dma_wait3A_64, %multiple_of3A] : memref<200x4096xi32, #tpu.memory_space<hbm>> -> memref<40x256xi32, #tpu.memory_space<hbm>>
    tpu.wait_dma2 semaphore(%arg10 : memref<!tpu.dma_semaphore, #tpu.memory_space<semaphore_mem>>) src(%dma_wait3A_65 : memref<40x256xi32, #tpu.memory_space<hbm>>) dst(%dma_wait3A_63 : memref<40x256xi32, #tpu.memory_space<vmem>>)
    %dma_start3A_66 = arith.constant 1 : i32
    %dma_start3A_67 = arith.constant 0 : i32
    %dma_start3A_68 = arith.constant 0 : i32
    %dma_start3A_69 = tpu.memref_slice %arg8[%dma_start3A_66, %dma_start3A_67, %dma_start3A_68] : memref<2x40x256xi32, #tpu.memory_space<vmem>> -> memref<1x40x256xi32, #tpu.memory_space<vmem>>
    %dma_start3A_70 = tpu.memref_squeeze %dma_start3A_69 : memref<1x40x256xi32, #tpu.memory_space<vmem>> -> memref<40x256xi32, #tpu.memory_space<vmem>>
    %dma_start3A_71 = arith.constant 40 : i32
    %dma_start3A_72 = tpu.memref_slice %arg4[%dma_start3A_71, %multiple_of3A] : memref<200x4096xi32, #tpu.memory_space<hbm>> -> memref<40x256xi32, #tpu.memory_space<hbm>>
    %dma_start3A_73 = arith.constant 0 : i32
    %dma_start3A_74 = arith.constant 0 : i32
    %dma_start3A_75 = tpu.memref_slice %arg8[%dma_start3A_66, %dma_start3A_73, %dma_start3A_74] : memref<2x40x256xi32, #tpu.memory_space<vmem>> -> memref<1x40x256xi32, #tpu.memory_space<vmem>>
    %dma_start3A_76 = tpu.memref_squeeze %dma_start3A_75 : memref<1x40x256xi32, #tpu.memory_space<vmem>> -> memref<40x256xi32, #tpu.memory_space<vmem>>
    %dma_start3A_77 = arith.constant 40 : i32
    %dma_start3A_78 = tpu.memref_slice %arg4[%dma_start3A_77, %multiple_of3A] : memref<200x4096xi32, #tpu.memory_space<hbm>> -> memref<40x256xi32, #tpu.memory_space<hbm>>
    tpu.enqueue_dma source(%dma_start3A_78 : memref<40x256xi32, #tpu.memory_space<hbm>>) target(%dma_start3A_76 : memref<40x256xi32, #tpu.memory_space<vmem>>) target_semaphore(%arg11 : memref<!tpu.dma_semaphore, #tpu.memory_space<semaphore_mem>>)
    %parallel_loop3A = arith.constant 0 : i32
    %parallel_loop3A_79 = arith.constant 40 : i32
    %parallel_loop3A_80 = arith.constant 1 : i32
    %parallel_loop3A_81:16 = scf.for %parallel_loop3A_273 = %parallel_loop3A to %parallel_loop3A_79 step %parallel_loop3A_80 iter_args(%parallel_loop3A_274 = %broadcast_in_dim3A_23, %parallel_loop3A_275 = %broadcast_in_dim3A_25, %parallel_loop3A_276 = %broadcast_in_dim3A_27, %parallel_loop3A_277 = %broadcast_in_dim3A_29, %parallel_loop3A_278 = %broadcast_in_dim3A_31, %parallel_loop3A_279 = %broadcast_in_dim3A_33, %parallel_loop3A_280 = %broadcast_in_dim3A_35, %parallel_loop3A_281 = %broadcast_in_dim3A_37, %parallel_loop3A_282 = %broadcast_in_dim3A_39, %parallel_loop3A_283 = %broadcast_in_dim3A_41, %parallel_loop3A_284 = %broadcast_in_dim3A_43, %parallel_loop3A_285 = %broadcast_in_dim3A_45, %parallel_loop3A_286 = %broadcast_in_dim3A_47, %parallel_loop3A_287 = %broadcast_in_dim3A_49, %parallel_loop3A_288 = %broadcast_in_dim3A_51, %parallel_loop3A_289 = %broadcast_in_dim3A_53) -> (vector<16xf32>, vector<16xf32>, vector<16xf32>, vector<16xf32>, vector<16xf32>, vector<16xf32>, vector<16xf32>, vector<16xf32>, vector<16xf32>, vector<16xf32>, vector<16xf32>, vector<16xf32>, vector<16xf32>, vector<16xf32>, vector<16xf32>, vector<16xf32>)  : i32 {
      %parallel_loop3A_290 = arith.constant 0 : i32
      %parallel_loop3A_291 = arith.index_cast %parallel_loop3A_290 : i32 to index
      %parallel_loop3A_292 = arith.index_cast %parallel_loop3A_273 : i32 to index
      %parallel_loop3A_293 = arith.constant 0 : index
      %parallel_loop3A_294 = tpu.vector_load %arg8[%parallel_loop3A_291, %parallel_loop3A_292, %parallel_loop3A_293] {strides = array<i32>} : memref<2x40x256xi32, #tpu.memory_space<vmem>>, vector<16xi32>,
      %parallel_loop3A_295 = tpu.vector_load_idx %arg6[%parallel_loop3A_294] : memref<102400xf32, #tpu.memory_space<vmem>>[vector<16xi32>], vector<16xf32>,
      %parallel_loop3A_296 = arith.addf %parallel_loop3A_274, %parallel_loop3A_295 : vector<16xf32>
      %parallel_loop3A_297 = arith.constant 0 : i32
      %parallel_loop3A_298 = arith.index_cast %parallel_loop3A_297 : i32 to index
      %parallel_loop3A_299 = arith.index_cast %parallel_loop3A_273 : i32 to index
      %parallel_loop3A_300 = arith.constant 16 : index
      %parallel_loop3A_301 = tpu.vector_load %arg8[%parallel_loop3A_298, %parallel_loop3A_299, %parallel_loop3A_300] {strides = array<i32>} : memref<2x40x256xi32, #tpu.memory_space<vmem>>, vector<16xi32>,
      %parallel_loop3A_302 = tpu.vector_load_idx %arg6[%parallel_loop3A_301] : memref<102400xf32, #tpu.memory_space<vmem>>[vector<16xi32>], vector<16xf32>,
      %parallel_loop3A_303 = arith.addf %parallel_loop3A_275, %parallel_loop3A_302 : vector<16xf32>
      %parallel_loop3A_304 = arith.constant 0 : i32
      %parallel_loop3A_305 = arith.index_cast %parallel_loop3A_304 : i32 to index
      %parallel_loop3A_306 = arith.index_cast %parallel_loop3A_273 : i32 to index
      %parallel_loop3A_307 = arith.constant 32 : index
      %parallel_loop3A_308 = tpu.vector_load %arg8[%parallel_loop3A_305, %parallel_loop3A_306, %parallel_loop3A_307] {strides = array<i32>} : memref<2x40x256xi32, #tpu.memory_space<vmem>>, vector<16xi32>,
      %parallel_loop3A_309 = tpu.vector_load_idx %arg6[%parallel_loop3A_308] : memref<102400xf32, #tpu.memory_space<vmem>>[vector<16xi32>], vector<16xf32>,
      %parallel_loop3A_310 = arith.addf %parallel_loop3A_276, %parallel_loop3A_309 : vector<16xf32>
      %parallel_loop3A_311 = arith.constant 0 : i32
      %parallel_loop3A_312 = arith.index_cast %parallel_loop3A_311 : i32 to index
      %parallel_loop3A_313 = arith.index_cast %parallel_loop3A_273 : i32 to index
      %parallel_loop3A_314 = arith.constant 48 : index
      %parallel_loop3A_315 = tpu.vector_load %arg8[%parallel_loop3A_312, %parallel_loop3A_313, %parallel_loop3A_314] {strides = array<i32>} : memref<2x40x256xi32, #tpu.memory_space<vmem>>, vector<16xi32>,
      %parallel_loop3A_316 = tpu.vector_load_idx %arg6[%parallel_loop3A_315] : memref<102400xf32, #tpu.memory_space<vmem>>[vector<16xi32>], vector<16xf32>,
      %parallel_loop3A_317 = arith.addf %parallel_loop3A_277, %parallel_loop3A_316 : vector<16xf32>
      %parallel_loop3A_318 = arith.constant 0 : i32
      %parallel_loop3A_319 = arith.index_cast %parallel_loop3A_318 : i32 to index
      %parallel_loop3A_320 = arith.index_cast %parallel_loop3A_273 : i32 to index
      %parallel_loop3A_321 = arith.constant 64 : index
      %parallel_loop3A_322 = tpu.vector_load %arg8[%parallel_loop3A_319, %parallel_loop3A_320, %parallel_loop3A_321] {strides = array<i32>} : memref<2x40x256xi32, #tpu.memory_space<vmem>>, vector<16xi32>,
      %parallel_loop3A_323 = tpu.vector_load_idx %arg6[%parallel_loop3A_322] : memref<102400xf32, #tpu.memory_space<vmem>>[vector<16xi32>], vector<16xf32>,
      %parallel_loop3A_324 = arith.addf %parallel_loop3A_278, %parallel_loop3A_323 : vector<16xf32>
      %parallel_loop3A_325 = arith.constant 0 : i32
      %parallel_loop3A_326 = arith.index_cast %parallel_loop3A_325 : i32 to index
      %parallel_loop3A_327 = arith.index_cast %parallel_loop3A_273 : i32 to index
      %parallel_loop3A_328 = arith.constant 80 : index
      %parallel_loop3A_329 = tpu.vector_load %arg8[%parallel_loop3A_326, %parallel_loop3A_327, %parallel_loop3A_328] {strides = array<i32>} : memref<2x40x256xi32, #tpu.memory_space<vmem>>, vector<16xi32>,
      %parallel_loop3A_330 = tpu.vector_load_idx %arg6[%parallel_loop3A_329] : memref<102400xf32, #tpu.memory_space<vmem>>[vector<16xi32>], vector<16xf32>,
      %parallel_loop3A_331 = arith.addf %parallel_loop3A_279, %parallel_loop3A_330 : vector<16xf32>
      %parallel_loop3A_332 = arith.constant 0 : i32
      %parallel_loop3A_333 = arith.index_cast %parallel_loop3A_332 : i32 to index
      %parallel_loop3A_334 = arith.index_cast %parallel_loop3A_273 : i32 to index
      %parallel_loop3A_335 = arith.constant 96 : index
      %parallel_loop3A_336 = tpu.vector_load %arg8[%parallel_loop3A_333, %parallel_loop3A_334, %parallel_loop3A_335] {strides = array<i32>} : memref<2x40x256xi32, #tpu.memory_space<vmem>>, vector<16xi32>,
      %parallel_loop3A_337 = tpu.vector_load_idx %arg6[%parallel_loop3A_336] : memref<102400xf32, #tpu.memory_space<vmem>>[vector<16xi32>], vector<16xf32>,
      %parallel_loop3A_338 = arith.addf %parallel_loop3A_280, %parallel_loop3A_337 : vector<16xf32>
      %parallel_loop3A_339 = arith.constant 0 : i32
      %parallel_loop3A_340 = arith.index_cast %parallel_loop3A_339 : i32 to index
      %parallel_loop3A_341 = arith.index_cast %parallel_loop3A_273 : i32 to index
      %parallel_loop3A_342 = arith.constant 112 : index
      %parallel_loop3A_343 = tpu.vector_load %arg8[%parallel_loop3A_340, %parallel_loop3A_341, %parallel_loop3A_342] {strides = array<i32>} : memref<2x40x256xi32, #tpu.memory_space<vmem>>, vector<16xi32>,
      %parallel_loop3A_344 = tpu.vector_load_idx %arg6[%parallel_loop3A_343] : memref<102400xf32, #tpu.memory_space<vmem>>[vector<16xi32>], vector<16xf32>,
      %parallel_loop3A_345 = arith.addf %parallel_loop3A_281, %parallel_loop3A_344 : vector<16xf32>
      %parallel_loop3A_346 = arith.constant 0 : i32
      %parallel_loop3A_347 = arith.index_cast %parallel_loop3A_346 : i32 to index
      %parallel_loop3A_348 = arith.index_cast %parallel_loop3A_273 : i32 to index
      %parallel_loop3A_349 = arith.constant 128 : index
      %parallel_loop3A_350 = tpu.vector_load %arg8[%parallel_loop3A_347, %parallel_loop3A_348, %parallel_loop3A_349] {strides = array<i32>} : memref<2x40x256xi32, #tpu.memory_space<vmem>>, vector<16xi32>,
      %parallel_loop3A_351 = tpu.vector_load_idx %arg6[%parallel_loop3A_350] : memref<102400xf32, #tpu.memory_space<vmem>>[vector<16xi32>], vector<16xf32>,
      %parallel_loop3A_352 = arith.addf %parallel_loop3A_282, %parallel_loop3A_351 : vector<16xf32>
      %parallel_loop3A_353 = arith.constant 0 : i32
      %parallel_loop3A_354 = arith.index_cast %parallel_loop3A_353 : i32 to index
      %parallel_loop3A_355 = arith.index_cast %parallel_loop3A_273 : i32 to index
      %parallel_loop3A_356 = arith.constant 144 : index
      %parallel_loop3A_357 = tpu.vector_load %arg8[%parallel_loop3A_354, %parallel_loop3A_355, %parallel_loop3A_356] {strides = array<i32>} : memref<2x40x256xi32, #tpu.memory_space<vmem>>, vector<16xi32>,
      %parallel_loop3A_358 = tpu.vector_load_idx %arg6[%parallel_loop3A_357] : memref<102400xf32, #tpu.memory_space<vmem>>[vector<16xi32>], vector<16xf32>,
      %parallel_loop3A_359 = arith.addf %parallel_loop3A_283, %parallel_loop3A_358 : vector<16xf32>
      %parallel_loop3A_360 = arith.constant 0 : i32
      %parallel_loop3A_361 = arith.index_cast %parallel_loop3A_360 : i32 to index
      %parallel_loop3A_362 = arith.index_cast %parallel_loop3A_273 : i32 to index
      %parallel_loop3A_363 = arith.constant 160 : index
      %parallel_loop3A_364 = tpu.vector_load %arg8[%parallel_loop3A_361, %parallel_loop3A_362, %parallel_loop3A_363] {strides = array<i32>} : memref<2x40x256xi32, #tpu.memory_space<vmem>>, vector<16xi32>,
      %parallel_loop3A_365 = tpu.vector_load_idx %arg6[%parallel_loop3A_364] : memref<102400xf32, #tpu.memory_space<vmem>>[vector<16xi32>], vector<16xf32>,
      %parallel_loop3A_366 = arith.addf %parallel_loop3A_284, %parallel_loop3A_365 : vector<16xf32>
      %parallel_loop3A_367 = arith.constant 0 : i32
      %parallel_loop3A_368 = arith.index_cast %parallel_loop3A_367 : i32 to index
      %parallel_loop3A_369 = arith.index_cast %parallel_loop3A_273 : i32 to index
      %parallel_loop3A_370 = arith.constant 176 : index
      %parallel_loop3A_371 = tpu.vector_load %arg8[%parallel_loop3A_368, %parallel_loop3A_369, %parallel_loop3A_370] {strides = array<i32>} : memref<2x40x256xi32, #tpu.memory_space<vmem>>, vector<16xi32>,
      %parallel_loop3A_372 = tpu.vector_load_idx %arg6[%parallel_loop3A_371] : memref<102400xf32, #tpu.memory_space<vmem>>[vector<16xi32>], vector<16xf32>,
      %parallel_loop3A_373 = arith.addf %parallel_loop3A_285, %parallel_loop3A_372 : vector<16xf32>
      %parallel_loop3A_374 = arith.constant 0 : i32
      %parallel_loop3A_375 = arith.index_cast %parallel_loop3A_374 : i32 to index
      %parallel_loop3A_376 = arith.index_cast %parallel_loop3A_273 : i32 to index
      %parallel_loop3A_377 = arith.constant 192 : index
      %parallel_loop3A_378 = tpu.vector_load %arg8[%parallel_loop3A_375, %parallel_loop3A_376, %parallel_loop3A_377] {strides = array<i32>} : memref<2x40x256xi32, #tpu.memory_space<vmem>>, vector<16xi32>,
      %parallel_loop3A_379 = tpu.vector_load_idx %arg6[%parallel_loop3A_378] : memref<102400xf32, #tpu.memory_space<vmem>>[vector<16xi32>], vector<16xf32>,
      %parallel_loop3A_380 = arith.addf %parallel_loop3A_286, %parallel_loop3A_379 : vector<16xf32>
      %parallel_loop3A_381 = arith.constant 0 : i32
      %parallel_loop3A_382 = arith.index_cast %parallel_loop3A_381 : i32 to index
      %parallel_loop3A_383 = arith.index_cast %parallel_loop3A_273 : i32 to index
      %parallel_loop3A_384 = arith.constant 208 : index
      %parallel_loop3A_385 = tpu.vector_load %arg8[%parallel_loop3A_382, %parallel_loop3A_383, %parallel_loop3A_384] {strides = array<i32>} : memref<2x40x256xi32, #tpu.memory_space<vmem>>, vector<16xi32>,
      %parallel_loop3A_386 = tpu.vector_load_idx %arg6[%parallel_loop3A_385] : memref<102400xf32, #tpu.memory_space<vmem>>[vector<16xi32>], vector<16xf32>,
      %parallel_loop3A_387 = arith.addf %parallel_loop3A_287, %parallel_loop3A_386 : vector<16xf32>
      %parallel_loop3A_388 = arith.constant 0 : i32
      %parallel_loop3A_389 = arith.index_cast %parallel_loop3A_388 : i32 to index
      %parallel_loop3A_390 = arith.index_cast %parallel_loop3A_273 : i32 to index
      %parallel_loop3A_391 = arith.constant 224 : index
      %parallel_loop3A_392 = tpu.vector_load %arg8[%parallel_loop3A_389, %parallel_loop3A_390, %parallel_loop3A_391] {strides = array<i32>} : memref<2x40x256xi32, #tpu.memory_space<vmem>>, vector<16xi32>,
      %parallel_loop3A_393 = tpu.vector_load_idx %arg6[%parallel_loop3A_392] : memref<102400xf32, #tpu.memory_space<vmem>>[vector<16xi32>], vector<16xf32>,
      %parallel_loop3A_394 = arith.addf %parallel_loop3A_288, %parallel_loop3A_393 : vector<16xf32>
      %parallel_loop3A_395 = arith.constant 0 : i32
      %parallel_loop3A_396 = arith.index_cast %parallel_loop3A_395 : i32 to index
      %parallel_loop3A_397 = arith.index_cast %parallel_loop3A_273 : i32 to index
      %parallel_loop3A_398 = arith.constant 240 : index
      %parallel_loop3A_399 = tpu.vector_load %arg8[%parallel_loop3A_396, %parallel_loop3A_397, %parallel_loop3A_398] {strides = array<i32>} : memref<2x40x256xi32, #tpu.memory_space<vmem>>, vector<16xi32>,
      %parallel_loop3A_400 = tpu.vector_load_idx %arg6[%parallel_loop3A_399] : memref<102400xf32, #tpu.memory_space<vmem>>[vector<16xi32>], vector<16xf32>,
      %parallel_loop3A_401 = arith.addf %parallel_loop3A_289, %parallel_loop3A_400 : vector<16xf32>
      scf.yield %parallel_loop3A_296, %parallel_loop3A_303, %parallel_loop3A_310, %parallel_loop3A_317, %parallel_loop3A_324, %parallel_loop3A_331, %parallel_loop3A_338, %parallel_loop3A_345, %parallel_loop3A_352, %parallel_loop3A_359, %parallel_loop3A_366, %parallel_loop3A_373, %parallel_loop3A_380, %parallel_loop3A_387, %parallel_loop3A_394, %parallel_loop3A_401 : vector<16xf32>, vector<16xf32>, vector<16xf32>, vector<16xf32>, vector<16xf32>, vector<16xf32>, vector<16xf32>, vector<16xf32>, vector<16xf32>, vector<16xf32>, vector<16xf32>, vector<16xf32>, vector<16xf32>, vector<16xf32>, vector<16xf32>, vector<16xf32>
    } {sc.loop_unroll_factor = 2 : i64, sc.parallel_access}
    %dma_wait3A_82 = arith.constant 1 : i32
    %dma_wait3A_83 = arith.constant 0 : i32
    %dma_wait3A_84 = arith.constant 0 : i32
    %dma_wait3A_85 = tpu.memref_slice %arg8[%dma_wait3A_82, %dma_wait3A_83, %dma_wait3A_84] : memref<2x40x256xi32, #tpu.memory_space<vmem>> -> memref<1x40x256xi32, #tpu.memory_space<vmem>>
    %dma_wait3A_86 = tpu.memref_squeeze %dma_wait3A_85 : memref<1x40x256xi32, #tpu.memory_space<vmem>> -> memref<40x256xi32, #tpu.memory_space<vmem>>
    %dma_wait3A_87 = arith.constant 40 : i32
    %dma_wait3A_88 = tpu.memref_slice %arg4[%dma_wait3A_87, %multiple_of3A] : memref<200x4096xi32, #tpu.memory_space<hbm>> -> memref<40x256xi32, #tpu.memory_space<hbm>>
    %dma_wait3A_89 = arith.constant 0 : i32
    %dma_wait3A_90 = arith.constant 0 : i32
    %dma_wait3A_91 = tpu.memref_slice %arg8[%dma_wait3A_82, %dma_wait3A_89, %dma_wait3A_90] : memref<2x40x256xi32, #tpu.memory_space<vmem>> -> memref<1x40x256xi32, #tpu.memory_space<vmem>>
    %dma_wait3A_92 = tpu.memref_squeeze %dma_wait3A_91 : memref<1x40x256xi32, #tpu.memory_space<vmem>> -> memref<40x256xi32, #tpu.memory_space<vmem>>
    %dma_wait3A_93 = arith.constant 40 : i32
    %dma_wait3A_94 = tpu.memref_slice %arg4[%dma_wait3A_93, %multiple_of3A] : memref<200x4096xi32, #tpu.memory_space<hbm>> -> memref<40x256xi32, #tpu.memory_space<hbm>>
    tpu.wait_dma2 semaphore(%arg11 : memref<!tpu.dma_semaphore, #tpu.memory_space<semaphore_mem>>) src(%dma_wait3A_94 : memref<40x256xi32, #tpu.memory_space<hbm>>) dst(%dma_wait3A_92 : memref<40x256xi32, #tpu.memory_space<vmem>>)
    %dma_start3A_95 = arith.constant 0 : i32
    %dma_start3A_96 = arith.constant 0 : i32
    %dma_start3A_97 = arith.constant 0 : i32
    %dma_start3A_98 = tpu.memref_slice %arg8[%dma_start3A_95, %dma_start3A_96, %dma_start3A_97] : memref<2x40x256xi32, #tpu.memory_space<vmem>> -> memref<1x40x256xi32, #tpu.memory_space<vmem>>
    %dma_start3A_99 = tpu.memref_squeeze %dma_start3A_98 : memref<1x40x256xi32, #tpu.memory_space<vmem>> -> memref<40x256xi32, #tpu.memory_space<vmem>>
    %dma_start3A_100 = arith.constant 80 : i32
    %dma_start3A_101 = tpu.memref_slice %arg4[%dma_start3A_100, %multiple_of3A] : memref<200x4096xi32, #tpu.memory_space<hbm>> -> memref<40x256xi32, #tpu.memory_space<hbm>>
    %dma_start3A_102 = arith.constant 0 : i32
    %dma_start3A_103 = arith.constant 0 : i32
    %dma_start3A_104 = tpu.memref_slice %arg8[%dma_start3A_95, %dma_start3A_102, %dma_start3A_103] : memref<2x40x256xi32, #tpu.memory_space<vmem>> -> memref<1x40x256xi32, #tpu.memory_space<vmem>>
    %dma_start3A_105 = tpu.memref_squeeze %dma_start3A_104 : memref<1x40x256xi32, #tpu.memory_space<vmem>> -> memref<40x256xi32, #tpu.memory_space<vmem>>
    %dma_start3A_106 = arith.constant 80 : i32
    %dma_start3A_107 = tpu.memref_slice %arg4[%dma_start3A_106, %multiple_of3A] : memref<200x4096xi32, #tpu.memory_space<hbm>> -> memref<40x256xi32, #tpu.memory_space<hbm>>
    tpu.enqueue_dma source(%dma_start3A_107 : memref<40x256xi32, #tpu.memory_space<hbm>>) target(%dma_start3A_105 : memref<40x256xi32, #tpu.memory_space<vmem>>) target_semaphore(%arg10 : memref<!tpu.dma_semaphore, #tpu.memory_space<semaphore_mem>>)
    %parallel_loop3A_108 = arith.constant 0 : i32
    %parallel_loop3A_109 = arith.constant 40 : i32
    %parallel_loop3A_110 = arith.constant 1 : i32
    %parallel_loop3A_111:16 = scf.for %parallel_loop3A_273 = %parallel_loop3A_108 to %parallel_loop3A_109 step %parallel_loop3A_110 iter_args(%parallel_loop3A_274 = %parallel_loop3A_81#0, %parallel_loop3A_275 = %parallel_loop3A_81#1, %parallel_loop3A_276 = %parallel_loop3A_81#2, %parallel_loop3A_277 = %parallel_loop3A_81#3, %parallel_loop3A_278 = %parallel_loop3A_81#4, %parallel_loop3A_279 = %parallel_loop3A_81#5, %parallel_loop3A_280 = %parallel_loop3A_81#6, %parallel_loop3A_281 = %parallel_loop3A_81#7, %parallel_loop3A_282 = %parallel_loop3A_81#8, %parallel_loop3A_283 = %parallel_loop3A_81#9, %parallel_loop3A_284 = %parallel_loop3A_81#10, %parallel_loop3A_285 = %parallel_loop3A_81#11, %parallel_loop3A_286 = %parallel_loop3A_81#12, %parallel_loop3A_287 = %parallel_loop3A_81#13, %parallel_loop3A_288 = %parallel_loop3A_81#14, %parallel_loop3A_289 = %parallel_loop3A_81#15) -> (vector<16xf32>, vector<16xf32>, vector<16xf32>, vector<16xf32>, vector<16xf32>, vector<16xf32>, vector<16xf32>, vector<16xf32>, vector<16xf32>, vector<16xf32>, vector<16xf32>, vector<16xf32>, vector<16xf32>, vector<16xf32>, vector<16xf32>, vector<16xf32>)  : i32 {
      %parallel_loop3A_290 = arith.constant 1 : i32
      %parallel_loop3A_291 = arith.index_cast %parallel_loop3A_290 : i32 to index
      %parallel_loop3A_292 = arith.index_cast %parallel_loop3A_273 : i32 to index
      %parallel_loop3A_293 = arith.constant 0 : index
      %parallel_loop3A_294 = tpu.vector_load %arg8[%parallel_loop3A_291, %parallel_loop3A_292, %parallel_loop3A_293] {strides = array<i32>} : memref<2x40x256xi32, #tpu.memory_space<vmem>>, vector<16xi32>,
      %parallel_loop3A_295 = tpu.vector_load_idx %arg6[%parallel_loop3A_294] : memref<102400xf32, #tpu.memory_space<vmem>>[vector<16xi32>], vector<16xf32>,
      %parallel_loop3A_296 = arith.addf %parallel_loop3A_274, %parallel_loop3A_295 : vector<16xf32>
      %parallel_loop3A_297 = arith.constant 1 : i32
      %parallel_loop3A_298 = arith.index_cast %parallel_loop3A_297 : i32 to index
      %parallel_loop3A_299 = arith.index_cast %parallel_loop3A_273 : i32 to index
      %parallel_loop3A_300 = arith.constant 16 : index
      %parallel_loop3A_301 = tpu.vector_load %arg8[%parallel_loop3A_298, %parallel_loop3A_299, %parallel_loop3A_300] {strides = array<i32>} : memref<2x40x256xi32, #tpu.memory_space<vmem>>, vector<16xi32>,
      %parallel_loop3A_302 = tpu.vector_load_idx %arg6[%parallel_loop3A_301] : memref<102400xf32, #tpu.memory_space<vmem>>[vector<16xi32>], vector<16xf32>,
      %parallel_loop3A_303 = arith.addf %parallel_loop3A_275, %parallel_loop3A_302 : vector<16xf32>
      %parallel_loop3A_304 = arith.constant 1 : i32
      %parallel_loop3A_305 = arith.index_cast %parallel_loop3A_304 : i32 to index
      %parallel_loop3A_306 = arith.index_cast %parallel_loop3A_273 : i32 to index
      %parallel_loop3A_307 = arith.constant 32 : index
      %parallel_loop3A_308 = tpu.vector_load %arg8[%parallel_loop3A_305, %parallel_loop3A_306, %parallel_loop3A_307] {strides = array<i32>} : memref<2x40x256xi32, #tpu.memory_space<vmem>>, vector<16xi32>,
      %parallel_loop3A_309 = tpu.vector_load_idx %arg6[%parallel_loop3A_308] : memref<102400xf32, #tpu.memory_space<vmem>>[vector<16xi32>], vector<16xf32>,
      %parallel_loop3A_310 = arith.addf %parallel_loop3A_276, %parallel_loop3A_309 : vector<16xf32>
      %parallel_loop3A_311 = arith.constant 1 : i32
      %parallel_loop3A_312 = arith.index_cast %parallel_loop3A_311 : i32 to index
      %parallel_loop3A_313 = arith.index_cast %parallel_loop3A_273 : i32 to index
      %parallel_loop3A_314 = arith.constant 48 : index
      %parallel_loop3A_315 = tpu.vector_load %arg8[%parallel_loop3A_312, %parallel_loop3A_313, %parallel_loop3A_314] {strides = array<i32>} : memref<2x40x256xi32, #tpu.memory_space<vmem>>, vector<16xi32>,
      %parallel_loop3A_316 = tpu.vector_load_idx %arg6[%parallel_loop3A_315] : memref<102400xf32, #tpu.memory_space<vmem>>[vector<16xi32>], vector<16xf32>,
      %parallel_loop3A_317 = arith.addf %parallel_loop3A_277, %parallel_loop3A_316 : vector<16xf32>
      %parallel_loop3A_318 = arith.constant 1 : i32
      %parallel_loop3A_319 = arith.index_cast %parallel_loop3A_318 : i32 to index
      %parallel_loop3A_320 = arith.index_cast %parallel_loop3A_273 : i32 to index
      %parallel_loop3A_321 = arith.constant 64 : index
      %parallel_loop3A_322 = tpu.vector_load %arg8[%parallel_loop3A_319, %parallel_loop3A_320, %parallel_loop3A_321] {strides = array<i32>} : memref<2x40x256xi32, #tpu.memory_space<vmem>>, vector<16xi32>,
      %parallel_loop3A_323 = tpu.vector_load_idx %arg6[%parallel_loop3A_322] : memref<102400xf32, #tpu.memory_space<vmem>>[vector<16xi32>], vector<16xf32>,
      %parallel_loop3A_324 = arith.addf %parallel_loop3A_278, %parallel_loop3A_323 : vector<16xf32>
      %parallel_loop3A_325 = arith.constant 1 : i32
      %parallel_loop3A_326 = arith.index_cast %parallel_loop3A_325 : i32 to index
      %parallel_loop3A_327 = arith.index_cast %parallel_loop3A_273 : i32 to index
      %parallel_loop3A_328 = arith.constant 80 : index
      %parallel_loop3A_329 = tpu.vector_load %arg8[%parallel_loop3A_326, %parallel_loop3A_327, %parallel_loop3A_328] {strides = array<i32>} : memref<2x40x256xi32, #tpu.memory_space<vmem>>, vector<16xi32>,
      %parallel_loop3A_330 = tpu.vector_load_idx %arg6[%parallel_loop3A_329] : memref<102400xf32, #tpu.memory_space<vmem>>[vector<16xi32>], vector<16xf32>,
      %parallel_loop3A_331 = arith.addf %parallel_loop3A_279, %parallel_loop3A_330 : vector<16xf32>
      %parallel_loop3A_332 = arith.constant 1 : i32
      %parallel_loop3A_333 = arith.index_cast %parallel_loop3A_332 : i32 to index
      %parallel_loop3A_334 = arith.index_cast %parallel_loop3A_273 : i32 to index
      %parallel_loop3A_335 = arith.constant 96 : index
      %parallel_loop3A_336 = tpu.vector_load %arg8[%parallel_loop3A_333, %parallel_loop3A_334, %parallel_loop3A_335] {strides = array<i32>} : memref<2x40x256xi32, #tpu.memory_space<vmem>>, vector<16xi32>,
      %parallel_loop3A_337 = tpu.vector_load_idx %arg6[%parallel_loop3A_336] : memref<102400xf32, #tpu.memory_space<vmem>>[vector<16xi32>], vector<16xf32>,
      %parallel_loop3A_338 = arith.addf %parallel_loop3A_280, %parallel_loop3A_337 : vector<16xf32>
      %parallel_loop3A_339 = arith.constant 1 : i32
      %parallel_loop3A_340 = arith.index_cast %parallel_loop3A_339 : i32 to index
      %parallel_loop3A_341 = arith.index_cast %parallel_loop3A_273 : i32 to index
      %parallel_loop3A_342 = arith.constant 112 : index
      %parallel_loop3A_343 = tpu.vector_load %arg8[%parallel_loop3A_340, %parallel_loop3A_341, %parallel_loop3A_342] {strides = array<i32>} : memref<2x40x256xi32, #tpu.memory_space<vmem>>, vector<16xi32>,
      %parallel_loop3A_344 = tpu.vector_load_idx %arg6[%parallel_loop3A_343] : memref<102400xf32, #tpu.memory_space<vmem>>[vector<16xi32>], vector<16xf32>,
      %parallel_loop3A_345 = arith.addf %parallel_loop3A_281, %parallel_loop3A_344 : vector<16xf32>
      %parallel_loop3A_346 = arith.constant 1 : i32
      %parallel_loop3A_347 = arith.index_cast %parallel_loop3A_346 : i32 to index
      %parallel_loop3A_348 = arith.index_cast %parallel_loop3A_273 : i32 to index
      %parallel_loop3A_349 = arith.constant 128 : index
      %parallel_loop3A_350 = tpu.vector_load %arg8[%parallel_loop3A_347, %parallel_loop3A_348, %parallel_loop3A_349] {strides = array<i32>} : memref<2x40x256xi32, #tpu.memory_space<vmem>>, vector<16xi32>,
      %parallel_loop3A_351 = tpu.vector_load_idx %arg6[%parallel_loop3A_350] : memref<102400xf32, #tpu.memory_space<vmem>>[vector<16xi32>], vector<16xf32>,
      %parallel_loop3A_352 = arith.addf %parallel_loop3A_282, %parallel_loop3A_351 : vector<16xf32>
      %parallel_loop3A_353 = arith.constant 1 : i32
      %parallel_loop3A_354 = arith.index_cast %parallel_loop3A_353 : i32 to index
      %parallel_loop3A_355 = arith.index_cast %parallel_loop3A_273 : i32 to index
      %parallel_loop3A_356 = arith.constant 144 : index
      %parallel_loop3A_357 = tpu.vector_load %arg8[%parallel_loop3A_354, %parallel_loop3A_355, %parallel_loop3A_356] {strides = array<i32>} : memref<2x40x256xi32, #tpu.memory_space<vmem>>, vector<16xi32>,
      %parallel_loop3A_358 = tpu.vector_load_idx %arg6[%parallel_loop3A_357] : memref<102400xf32, #tpu.memory_space<vmem>>[vector<16xi32>], vector<16xf32>,
      %parallel_loop3A_359 = arith.addf %parallel_loop3A_283, %parallel_loop3A_358 : vector<16xf32>
      %parallel_loop3A_360 = arith.constant 1 : i32
      %parallel_loop3A_361 = arith.index_cast %parallel_loop3A_360 : i32 to index
      %parallel_loop3A_362 = arith.index_cast %parallel_loop3A_273 : i32 to index
      %parallel_loop3A_363 = arith.constant 160 : index
      %parallel_loop3A_364 = tpu.vector_load %arg8[%parallel_loop3A_361, %parallel_loop3A_362, %parallel_loop3A_363] {strides = array<i32>} : memref<2x40x256xi32, #tpu.memory_space<vmem>>, vector<16xi32>,
      %parallel_loop3A_365 = tpu.vector_load_idx %arg6[%parallel_loop3A_364] : memref<102400xf32, #tpu.memory_space<vmem>>[vector<16xi32>], vector<16xf32>,
      %parallel_loop3A_366 = arith.addf %parallel_loop3A_284, %parallel_loop3A_365 : vector<16xf32>
      %parallel_loop3A_367 = arith.constant 1 : i32
      %parallel_loop3A_368 = arith.index_cast %parallel_loop3A_367 : i32 to index
      %parallel_loop3A_369 = arith.index_cast %parallel_loop3A_273 : i32 to index
      %parallel_loop3A_370 = arith.constant 176 : index
      %parallel_loop3A_371 = tpu.vector_load %arg8[%parallel_loop3A_368, %parallel_loop3A_369, %parallel_loop3A_370] {strides = array<i32>} : memref<2x40x256xi32, #tpu.memory_space<vmem>>, vector<16xi32>,
      %parallel_loop3A_372 = tpu.vector_load_idx %arg6[%parallel_loop3A_371] : memref<102400xf32, #tpu.memory_space<vmem>>[vector<16xi32>], vector<16xf32>,
      %parallel_loop3A_373 = arith.addf %parallel_loop3A_285, %parallel_loop3A_372 : vector<16xf32>
      %parallel_loop3A_374 = arith.constant 1 : i32
      %parallel_loop3A_375 = arith.index_cast %parallel_loop3A_374 : i32 to index
      %parallel_loop3A_376 = arith.index_cast %parallel_loop3A_273 : i32 to index
      %parallel_loop3A_377 = arith.constant 192 : index
      %parallel_loop3A_378 = tpu.vector_load %arg8[%parallel_loop3A_375, %parallel_loop3A_376, %parallel_loop3A_377] {strides = array<i32>} : memref<2x40x256xi32, #tpu.memory_space<vmem>>, vector<16xi32>,
      %parallel_loop3A_379 = tpu.vector_load_idx %arg6[%parallel_loop3A_378] : memref<102400xf32, #tpu.memory_space<vmem>>[vector<16xi32>], vector<16xf32>,
      %parallel_loop3A_380 = arith.addf %parallel_loop3A_286, %parallel_loop3A_379 : vector<16xf32>
      %parallel_loop3A_381 = arith.constant 1 : i32
      %parallel_loop3A_382 = arith.index_cast %parallel_loop3A_381 : i32 to index
      %parallel_loop3A_383 = arith.index_cast %parallel_loop3A_273 : i32 to index
      %parallel_loop3A_384 = arith.constant 208 : index
      %parallel_loop3A_385 = tpu.vector_load %arg8[%parallel_loop3A_382, %parallel_loop3A_383, %parallel_loop3A_384] {strides = array<i32>} : memref<2x40x256xi32, #tpu.memory_space<vmem>>, vector<16xi32>,
      %parallel_loop3A_386 = tpu.vector_load_idx %arg6[%parallel_loop3A_385] : memref<102400xf32, #tpu.memory_space<vmem>>[vector<16xi32>], vector<16xf32>,
      %parallel_loop3A_387 = arith.addf %parallel_loop3A_287, %parallel_loop3A_386 : vector<16xf32>
      %parallel_loop3A_388 = arith.constant 1 : i32
      %parallel_loop3A_389 = arith.index_cast %parallel_loop3A_388 : i32 to index
      %parallel_loop3A_390 = arith.index_cast %parallel_loop3A_273 : i32 to index
      %parallel_loop3A_391 = arith.constant 224 : index
      %parallel_loop3A_392 = tpu.vector_load %arg8[%parallel_loop3A_389, %parallel_loop3A_390, %parallel_loop3A_391] {strides = array<i32>} : memref<2x40x256xi32, #tpu.memory_space<vmem>>, vector<16xi32>,
      %parallel_loop3A_393 = tpu.vector_load_idx %arg6[%parallel_loop3A_392] : memref<102400xf32, #tpu.memory_space<vmem>>[vector<16xi32>], vector<16xf32>,
      %parallel_loop3A_394 = arith.addf %parallel_loop3A_288, %parallel_loop3A_393 : vector<16xf32>
      %parallel_loop3A_395 = arith.constant 1 : i32
      %parallel_loop3A_396 = arith.index_cast %parallel_loop3A_395 : i32 to index
      %parallel_loop3A_397 = arith.index_cast %parallel_loop3A_273 : i32 to index
      %parallel_loop3A_398 = arith.constant 240 : index
      %parallel_loop3A_399 = tpu.vector_load %arg8[%parallel_loop3A_396, %parallel_loop3A_397, %parallel_loop3A_398] {strides = array<i32>} : memref<2x40x256xi32, #tpu.memory_space<vmem>>, vector<16xi32>,
      %parallel_loop3A_400 = tpu.vector_load_idx %arg6[%parallel_loop3A_399] : memref<102400xf32, #tpu.memory_space<vmem>>[vector<16xi32>], vector<16xf32>,
      %parallel_loop3A_401 = arith.addf %parallel_loop3A_289, %parallel_loop3A_400 : vector<16xf32>
      scf.yield %parallel_loop3A_296, %parallel_loop3A_303, %parallel_loop3A_310, %parallel_loop3A_317, %parallel_loop3A_324, %parallel_loop3A_331, %parallel_loop3A_338, %parallel_loop3A_345, %parallel_loop3A_352, %parallel_loop3A_359, %parallel_loop3A_366, %parallel_loop3A_373, %parallel_loop3A_380, %parallel_loop3A_387, %parallel_loop3A_394, %parallel_loop3A_401 : vector<16xf32>, vector<16xf32>, vector<16xf32>, vector<16xf32>, vector<16xf32>, vector<16xf32>, vector<16xf32>, vector<16xf32>, vector<16xf32>, vector<16xf32>, vector<16xf32>, vector<16xf32>, vector<16xf32>, vector<16xf32>, vector<16xf32>, vector<16xf32>
    } {sc.loop_unroll_factor = 2 : i64, sc.parallel_access}
    %dma_wait3A_112 = arith.constant 0 : i32
    %dma_wait3A_113 = arith.constant 0 : i32
    %dma_wait3A_114 = arith.constant 0 : i32
    %dma_wait3A_115 = tpu.memref_slice %arg8[%dma_wait3A_112, %dma_wait3A_113, %dma_wait3A_114] : memref<2x40x256xi32, #tpu.memory_space<vmem>> -> memref<1x40x256xi32, #tpu.memory_space<vmem>>
    %dma_wait3A_116 = tpu.memref_squeeze %dma_wait3A_115 : memref<1x40x256xi32, #tpu.memory_space<vmem>> -> memref<40x256xi32, #tpu.memory_space<vmem>>
    %dma_wait3A_117 = arith.constant 80 : i32
    %dma_wait3A_118 = tpu.memref_slice %arg4[%dma_wait3A_117, %multiple_of3A] : memref<200x4096xi32, #tpu.memory_space<hbm>> -> memref<40x256xi32, #tpu.memory_space<hbm>>
    %dma_wait3A_119 = arith.constant 0 : i32
    %dma_wait3A_120 = arith.constant 0 : i32
    %dma_wait3A_121 = tpu.memref_slice %arg8[%dma_wait3A_112, %dma_wait3A_119, %dma_wait3A_120] : memref<2x40x256xi32, #tpu.memory_space<vmem>> -> memref<1x40x256xi32, #tpu.memory_space<vmem>>
    %dma_wait3A_122 = tpu.memref_squeeze %dma_wait3A_121 : memref<1x40x256xi32, #tpu.memory_space<vmem>> -> memref<40x256xi32, #tpu.memory_space<vmem>>
    %dma_wait3A_123 = arith.constant 80 : i32
    %dma_wait3A_124 = tpu.memref_slice %arg4[%dma_wait3A_123, %multiple_of3A] : memref<200x4096xi32, #tpu.memory_space<hbm>> -> memref<40x256xi32, #tpu.memory_space<hbm>>
    tpu.wait_dma2 semaphore(%arg10 : memref<!tpu.dma_semaphore, #tpu.memory_space<semaphore_mem>>) src(%dma_wait3A_124 : memref<40x256xi32, #tpu.memory_space<hbm>>) dst(%dma_wait3A_122 : memref<40x256xi32, #tpu.memory_space<vmem>>)
    %dma_start3A_125 = arith.constant 1 : i32
    %dma_start3A_126 = arith.constant 0 : i32
    %dma_start3A_127 = arith.constant 0 : i32
    %dma_start3A_128 = tpu.memref_slice %arg8[%dma_start3A_125, %dma_start3A_126, %dma_start3A_127] : memref<2x40x256xi32, #tpu.memory_space<vmem>> -> memref<1x40x256xi32, #tpu.memory_space<vmem>>
    %dma_start3A_129 = tpu.memref_squeeze %dma_start3A_128 : memref<1x40x256xi32, #tpu.memory_space<vmem>> -> memref<40x256xi32, #tpu.memory_space<vmem>>
    %dma_start3A_130 = arith.constant 120 : i32
    %dma_start3A_131 = tpu.memref_slice %arg4[%dma_start3A_130, %multiple_of3A] : memref<200x4096xi32, #tpu.memory_space<hbm>> -> memref<40x256xi32, #tpu.memory_space<hbm>>
    %dma_start3A_132 = arith.constant 0 : i32
    %dma_start3A_133 = arith.constant 0 : i32
    %dma_start3A_134 = tpu.memref_slice %arg8[%dma_start3A_125, %dma_start3A_132, %dma_start3A_133] : memref<2x40x256xi32, #tpu.memory_space<vmem>> -> memref<1x40x256xi32, #tpu.memory_space<vmem>>
    %dma_start3A_135 = tpu.memref_squeeze %dma_start3A_134 : memref<1x40x256xi32, #tpu.memory_space<vmem>> -> memref<40x256xi32, #tpu.memory_space<vmem>>
    %dma_start3A_136 = arith.constant 120 : i32
    %dma_start3A_137 = tpu.memref_slice %arg4[%dma_start3A_136, %multiple_of3A] : memref<200x4096xi32, #tpu.memory_space<hbm>> -> memref<40x256xi32, #tpu.memory_space<hbm>>
    tpu.enqueue_dma source(%dma_start3A_137 : memref<40x256xi32, #tpu.memory_space<hbm>>) target(%dma_start3A_135 : memref<40x256xi32, #tpu.memory_space<vmem>>) target_semaphore(%arg11 : memref<!tpu.dma_semaphore, #tpu.memory_space<semaphore_mem>>)
    %parallel_loop3A_138 = arith.constant 0 : i32
    %parallel_loop3A_139 = arith.constant 40 : i32
    %parallel_loop3A_140 = arith.constant 1 : i32
    %parallel_loop3A_141:16 = scf.for %parallel_loop3A_273 = %parallel_loop3A_138 to %parallel_loop3A_139 step %parallel_loop3A_140 iter_args(%parallel_loop3A_274 = %parallel_loop3A_111#0, %parallel_loop3A_275 = %parallel_loop3A_111#1, %parallel_loop3A_276 = %parallel_loop3A_111#2, %parallel_loop3A_277 = %parallel_loop3A_111#3, %parallel_loop3A_278 = %parallel_loop3A_111#4, %parallel_loop3A_279 = %parallel_loop3A_111#5, %parallel_loop3A_280 = %parallel_loop3A_111#6, %parallel_loop3A_281 = %parallel_loop3A_111#7, %parallel_loop3A_282 = %parallel_loop3A_111#8, %parallel_loop3A_283 = %parallel_loop3A_111#9, %parallel_loop3A_284 = %parallel_loop3A_111#10, %parallel_loop3A_285 = %parallel_loop3A_111#11, %parallel_loop3A_286 = %parallel_loop3A_111#12, %parallel_loop3A_287 = %parallel_loop3A_111#13, %parallel_loop3A_288 = %parallel_loop3A_111#14, %parallel_loop3A_289 = %parallel_loop3A_111#15) -> (vector<16xf32>, vector<16xf32>, vector<16xf32>, vector<16xf32>, vector<16xf32>, vector<16xf32>, vector<16xf32>, vector<16xf32>, vector<16xf32>, vector<16xf32>, vector<16xf32>, vector<16xf32>, vector<16xf32>, vector<16xf32>, vector<16xf32>, vector<16xf32>)  : i32 {
      %parallel_loop3A_290 = arith.constant 0 : i32
      %parallel_loop3A_291 = arith.index_cast %parallel_loop3A_290 : i32 to index
      %parallel_loop3A_292 = arith.index_cast %parallel_loop3A_273 : i32 to index
      %parallel_loop3A_293 = arith.constant 0 : index
      %parallel_loop3A_294 = tpu.vector_load %arg8[%parallel_loop3A_291, %parallel_loop3A_292, %parallel_loop3A_293] {strides = array<i32>} : memref<2x40x256xi32, #tpu.memory_space<vmem>>, vector<16xi32>,
      %parallel_loop3A_295 = tpu.vector_load_idx %arg6[%parallel_loop3A_294] : memref<102400xf32, #tpu.memory_space<vmem>>[vector<16xi32>], vector<16xf32>,
      %parallel_loop3A_296 = arith.addf %parallel_loop3A_274, %parallel_loop3A_295 : vector<16xf32>
      %parallel_loop3A_297 = arith.constant 0 : i32
      %parallel_loop3A_298 = arith.index_cast %parallel_loop3A_297 : i32 to index
      %parallel_loop3A_299 = arith.index_cast %parallel_loop3A_273 : i32 to index
      %parallel_loop3A_300 = arith.constant 16 : index
      %parallel_loop3A_301 = tpu.vector_load %arg8[%parallel_loop3A_298, %parallel_loop3A_299, %parallel_loop3A_300] {strides = array<i32>} : memref<2x40x256xi32, #tpu.memory_space<vmem>>, vector<16xi32>,
      %parallel_loop3A_302 = tpu.vector_load_idx %arg6[%parallel_loop3A_301] : memref<102400xf32, #tpu.memory_space<vmem>>[vector<16xi32>], vector<16xf32>,
      %parallel_loop3A_303 = arith.addf %parallel_loop3A_275, %parallel_loop3A_302 : vector<16xf32>
      %parallel_loop3A_304 = arith.constant 0 : i32
      %parallel_loop3A_305 = arith.index_cast %parallel_loop3A_304 : i32 to index
      %parallel_loop3A_306 = arith.index_cast %parallel_loop3A_273 : i32 to index
      %parallel_loop3A_307 = arith.constant 32 : index
      %parallel_loop3A_308 = tpu.vector_load %arg8[%parallel_loop3A_305, %parallel_loop3A_306, %parallel_loop3A_307] {strides = array<i32>} : memref<2x40x256xi32, #tpu.memory_space<vmem>>, vector<16xi32>,
      %parallel_loop3A_309 = tpu.vector_load_idx %arg6[%parallel_loop3A_308] : memref<102400xf32, #tpu.memory_space<vmem>>[vector<16xi32>], vector<16xf32>,
      %parallel_loop3A_310 = arith.addf %parallel_loop3A_276, %parallel_loop3A_309 : vector<16xf32>
      %parallel_loop3A_311 = arith.constant 0 : i32
      %parallel_loop3A_312 = arith.index_cast %parallel_loop3A_311 : i32 to index
      %parallel_loop3A_313 = arith.index_cast %parallel_loop3A_273 : i32 to index
      %parallel_loop3A_314 = arith.constant 48 : index
      %parallel_loop3A_315 = tpu.vector_load %arg8[%parallel_loop3A_312, %parallel_loop3A_313, %parallel_loop3A_314] {strides = array<i32>} : memref<2x40x256xi32, #tpu.memory_space<vmem>>, vector<16xi32>,
      %parallel_loop3A_316 = tpu.vector_load_idx %arg6[%parallel_loop3A_315] : memref<102400xf32, #tpu.memory_space<vmem>>[vector<16xi32>], vector<16xf32>,
      %parallel_loop3A_317 = arith.addf %parallel_loop3A_277, %parallel_loop3A_316 : vector<16xf32>
      %parallel_loop3A_318 = arith.constant 0 : i32
      %parallel_loop3A_319 = arith.index_cast %parallel_loop3A_318 : i32 to index
      %parallel_loop3A_320 = arith.index_cast %parallel_loop3A_273 : i32 to index
      %parallel_loop3A_321 = arith.constant 64 : index
      %parallel_loop3A_322 = tpu.vector_load %arg8[%parallel_loop3A_319, %parallel_loop3A_320, %parallel_loop3A_321] {strides = array<i32>} : memref<2x40x256xi32, #tpu.memory_space<vmem>>, vector<16xi32>,
      %parallel_loop3A_323 = tpu.vector_load_idx %arg6[%parallel_loop3A_322] : memref<102400xf32, #tpu.memory_space<vmem>>[vector<16xi32>], vector<16xf32>,
      %parallel_loop3A_324 = arith.addf %parallel_loop3A_278, %parallel_loop3A_323 : vector<16xf32>
      %parallel_loop3A_325 = arith.constant 0 : i32
      %parallel_loop3A_326 = arith.index_cast %parallel_loop3A_325 : i32 to index
      %parallel_loop3A_327 = arith.index_cast %parallel_loop3A_273 : i32 to index
      %parallel_loop3A_328 = arith.constant 80 : index
      %parallel_loop3A_329 = tpu.vector_load %arg8[%parallel_loop3A_326, %parallel_loop3A_327, %parallel_loop3A_328] {strides = array<i32>} : memref<2x40x256xi32, #tpu.memory_space<vmem>>, vector<16xi32>,
      %parallel_loop3A_330 = tpu.vector_load_idx %arg6[%parallel_loop3A_329] : memref<102400xf32, #tpu.memory_space<vmem>>[vector<16xi32>], vector<16xf32>,
      %parallel_loop3A_331 = arith.addf %parallel_loop3A_279, %parallel_loop3A_330 : vector<16xf32>
      %parallel_loop3A_332 = arith.constant 0 : i32
      %parallel_loop3A_333 = arith.index_cast %parallel_loop3A_332 : i32 to index
      %parallel_loop3A_334 = arith.index_cast %parallel_loop3A_273 : i32 to index
      %parallel_loop3A_335 = arith.constant 96 : index
      %parallel_loop3A_336 = tpu.vector_load %arg8[%parallel_loop3A_333, %parallel_loop3A_334, %parallel_loop3A_335] {strides = array<i32>} : memref<2x40x256xi32, #tpu.memory_space<vmem>>, vector<16xi32>,
      %parallel_loop3A_337 = tpu.vector_load_idx %arg6[%parallel_loop3A_336] : memref<102400xf32, #tpu.memory_space<vmem>>[vector<16xi32>], vector<16xf32>,
      %parallel_loop3A_338 = arith.addf %parallel_loop3A_280, %parallel_loop3A_337 : vector<16xf32>
      %parallel_loop3A_339 = arith.constant 0 : i32
      %parallel_loop3A_340 = arith.index_cast %parallel_loop3A_339 : i32 to index
      %parallel_loop3A_341 = arith.index_cast %parallel_loop3A_273 : i32 to index
      %parallel_loop3A_342 = arith.constant 112 : index
      %parallel_loop3A_343 = tpu.vector_load %arg8[%parallel_loop3A_340, %parallel_loop3A_341, %parallel_loop3A_342] {strides = array<i32>} : memref<2x40x256xi32, #tpu.memory_space<vmem>>, vector<16xi32>,
      %parallel_loop3A_344 = tpu.vector_load_idx %arg6[%parallel_loop3A_343] : memref<102400xf32, #tpu.memory_space<vmem>>[vector<16xi32>], vector<16xf32>,
      %parallel_loop3A_345 = arith.addf %parallel_loop3A_281, %parallel_loop3A_344 : vector<16xf32>
      %parallel_loop3A_346 = arith.constant 0 : i32
      %parallel_loop3A_347 = arith.index_cast %parallel_loop3A_346 : i32 to index
      %parallel_loop3A_348 = arith.index_cast %parallel_loop3A_273 : i32 to index
      %parallel_loop3A_349 = arith.constant 128 : index
      %parallel_loop3A_350 = tpu.vector_load %arg8[%parallel_loop3A_347, %parallel_loop3A_348, %parallel_loop3A_349] {strides = array<i32>} : memref<2x40x256xi32, #tpu.memory_space<vmem>>, vector<16xi32>,
      %parallel_loop3A_351 = tpu.vector_load_idx %arg6[%parallel_loop3A_350] : memref<102400xf32, #tpu.memory_space<vmem>>[vector<16xi32>], vector<16xf32>,
      %parallel_loop3A_352 = arith.addf %parallel_loop3A_282, %parallel_loop3A_351 : vector<16xf32>
      %parallel_loop3A_353 = arith.constant 0 : i32
      %parallel_loop3A_354 = arith.index_cast %parallel_loop3A_353 : i32 to index
      %parallel_loop3A_355 = arith.index_cast %parallel_loop3A_273 : i32 to index
      %parallel_loop3A_356 = arith.constant 144 : index
      %parallel_loop3A_357 = tpu.vector_load %arg8[%parallel_loop3A_354, %parallel_loop3A_355, %parallel_loop3A_356] {strides = array<i32>} : memref<2x40x256xi32, #tpu.memory_space<vmem>>, vector<16xi32>,
      %parallel_loop3A_358 = tpu.vector_load_idx %arg6[%parallel_loop3A_357] : memref<102400xf32, #tpu.memory_space<vmem>>[vector<16xi32>], vector<16xf32>,
      %parallel_loop3A_359 = arith.addf %parallel_loop3A_283, %parallel_loop3A_358 : vector<16xf32>
      %parallel_loop3A_360 = arith.constant 0 : i32
      %parallel_loop3A_361 = arith.index_cast %parallel_loop3A_360 : i32 to index
      %parallel_loop3A_362 = arith.index_cast %parallel_loop3A_273 : i32 to index
      %parallel_loop3A_363 = arith.constant 160 : index
      %parallel_loop3A_364 = tpu.vector_load %arg8[%parallel_loop3A_361, %parallel_loop3A_362, %parallel_loop3A_363] {strides = array<i32>} : memref<2x40x256xi32, #tpu.memory_space<vmem>>, vector<16xi32>,
      %parallel_loop3A_365 = tpu.vector_load_idx %arg6[%parallel_loop3A_364] : memref<102400xf32, #tpu.memory_space<vmem>>[vector<16xi32>], vector<16xf32>,
      %parallel_loop3A_366 = arith.addf %parallel_loop3A_284, %parallel_loop3A_365 : vector<16xf32>
      %parallel_loop3A_367 = arith.constant 0 : i32
      %parallel_loop3A_368 = arith.index_cast %parallel_loop3A_367 : i32 to index
      %parallel_loop3A_369 = arith.index_cast %parallel_loop3A_273 : i32 to index
      %parallel_loop3A_370 = arith.constant 176 : index
      %parallel_loop3A_371 = tpu.vector_load %arg8[%parallel_loop3A_368, %parallel_loop3A_369, %parallel_loop3A_370] {strides = array<i32>} : memref<2x40x256xi32, #tpu.memory_space<vmem>>, vector<16xi32>,
      %parallel_loop3A_372 = tpu.vector_load_idx %arg6[%parallel_loop3A_371] : memref<102400xf32, #tpu.memory_space<vmem>>[vector<16xi32>], vector<16xf32>,
      %parallel_loop3A_373 = arith.addf %parallel_loop3A_285, %parallel_loop3A_372 : vector<16xf32>
      %parallel_loop3A_374 = arith.constant 0 : i32
      %parallel_loop3A_375 = arith.index_cast %parallel_loop3A_374 : i32 to index
      %parallel_loop3A_376 = arith.index_cast %parallel_loop3A_273 : i32 to index
      %parallel_loop3A_377 = arith.constant 192 : index
      %parallel_loop3A_378 = tpu.vector_load %arg8[%parallel_loop3A_375, %parallel_loop3A_376, %parallel_loop3A_377] {strides = array<i32>} : memref<2x40x256xi32, #tpu.memory_space<vmem>>, vector<16xi32>,
      %parallel_loop3A_379 = tpu.vector_load_idx %arg6[%parallel_loop3A_378] : memref<102400xf32, #tpu.memory_space<vmem>>[vector<16xi32>], vector<16xf32>,
      %parallel_loop3A_380 = arith.addf %parallel_loop3A_286, %parallel_loop3A_379 : vector<16xf32>
      %parallel_loop3A_381 = arith.constant 0 : i32
      %parallel_loop3A_382 = arith.index_cast %parallel_loop3A_381 : i32 to index
      %parallel_loop3A_383 = arith.index_cast %parallel_loop3A_273 : i32 to index
      %parallel_loop3A_384 = arith.constant 208 : index
      %parallel_loop3A_385 = tpu.vector_load %arg8[%parallel_loop3A_382, %parallel_loop3A_383, %parallel_loop3A_384] {strides = array<i32>} : memref<2x40x256xi32, #tpu.memory_space<vmem>>, vector<16xi32>,
      %parallel_loop3A_386 = tpu.vector_load_idx %arg6[%parallel_loop3A_385] : memref<102400xf32, #tpu.memory_space<vmem>>[vector<16xi32>], vector<16xf32>,
      %parallel_loop3A_387 = arith.addf %parallel_loop3A_287, %parallel_loop3A_386 : vector<16xf32>
      %parallel_loop3A_388 = arith.constant 0 : i32
      %parallel_loop3A_389 = arith.index_cast %parallel_loop3A_388 : i32 to index
      %parallel_loop3A_390 = arith.index_cast %parallel_loop3A_273 : i32 to index
      %parallel_loop3A_391 = arith.constant 224 : index
      %parallel_loop3A_392 = tpu.vector_load %arg8[%parallel_loop3A_389, %parallel_loop3A_390, %parallel_loop3A_391] {strides = array<i32>} : memref<2x40x256xi32, #tpu.memory_space<vmem>>, vector<16xi32>,
      %parallel_loop3A_393 = tpu.vector_load_idx %arg6[%parallel_loop3A_392] : memref<102400xf32, #tpu.memory_space<vmem>>[vector<16xi32>], vector<16xf32>,
      %parallel_loop3A_394 = arith.addf %parallel_loop3A_288, %parallel_loop3A_393 : vector<16xf32>
      %parallel_loop3A_395 = arith.constant 0 : i32
      %parallel_loop3A_396 = arith.index_cast %parallel_loop3A_395 : i32 to index
      %parallel_loop3A_397 = arith.index_cast %parallel_loop3A_273 : i32 to index
      %parallel_loop3A_398 = arith.constant 240 : index
      %parallel_loop3A_399 = tpu.vector_load %arg8[%parallel_loop3A_396, %parallel_loop3A_397, %parallel_loop3A_398] {strides = array<i32>} : memref<2x40x256xi32, #tpu.memory_space<vmem>>, vector<16xi32>,
      %parallel_loop3A_400 = tpu.vector_load_idx %arg6[%parallel_loop3A_399] : memref<102400xf32, #tpu.memory_space<vmem>>[vector<16xi32>], vector<16xf32>,
      %parallel_loop3A_401 = arith.addf %parallel_loop3A_289, %parallel_loop3A_400 : vector<16xf32>
      scf.yield %parallel_loop3A_296, %parallel_loop3A_303, %parallel_loop3A_310, %parallel_loop3A_317, %parallel_loop3A_324, %parallel_loop3A_331, %parallel_loop3A_338, %parallel_loop3A_345, %parallel_loop3A_352, %parallel_loop3A_359, %parallel_loop3A_366, %parallel_loop3A_373, %parallel_loop3A_380, %parallel_loop3A_387, %parallel_loop3A_394, %parallel_loop3A_401 : vector<16xf32>, vector<16xf32>, vector<16xf32>, vector<16xf32>, vector<16xf32>, vector<16xf32>, vector<16xf32>, vector<16xf32>, vector<16xf32>, vector<16xf32>, vector<16xf32>, vector<16xf32>, vector<16xf32>, vector<16xf32>, vector<16xf32>, vector<16xf32>
    } {sc.loop_unroll_factor = 2 : i64, sc.parallel_access}
    %dma_wait3A_142 = arith.constant 1 : i32
    %dma_wait3A_143 = arith.constant 0 : i32
    %dma_wait3A_144 = arith.constant 0 : i32
    %dma_wait3A_145 = tpu.memref_slice %arg8[%dma_wait3A_142, %dma_wait3A_143, %dma_wait3A_144] : memref<2x40x256xi32, #tpu.memory_space<vmem>> -> memref<1x40x256xi32, #tpu.memory_space<vmem>>
    %dma_wait3A_146 = tpu.memref_squeeze %dma_wait3A_145 : memref<1x40x256xi32, #tpu.memory_space<vmem>> -> memref<40x256xi32, #tpu.memory_space<vmem>>
    %dma_wait3A_147 = arith.constant 120 : i32
    %dma_wait3A_148 = tpu.memref_slice %arg4[%dma_wait3A_147, %multiple_of3A] : memref<200x4096xi32, #tpu.memory_space<hbm>> -> memref<40x256xi32, #tpu.memory_space<hbm>>
    %dma_wait3A_149 = arith.constant 0 : i32
    %dma_wait3A_150 = arith.constant 0 : i32
    %dma_wait3A_151 = tpu.memref_slice %arg8[%dma_wait3A_142, %dma_wait3A_149, %dma_wait3A_150] : memref<2x40x256xi32, #tpu.memory_space<vmem>> -> memref<1x40x256xi32, #tpu.memory_space<vmem>>
    %dma_wait3A_152 = tpu.memref_squeeze %dma_wait3A_151 : memref<1x40x256xi32, #tpu.memory_space<vmem>> -> memref<40x256xi32, #tpu.memory_space<vmem>>
    %dma_wait3A_153 = arith.constant 120 : i32
    %dma_wait3A_154 = tpu.memref_slice %arg4[%dma_wait3A_153, %multiple_of3A] : memref<200x4096xi32, #tpu.memory_space<hbm>> -> memref<40x256xi32, #tpu.memory_space<hbm>>
    tpu.wait_dma2 semaphore(%arg11 : memref<!tpu.dma_semaphore, #tpu.memory_space<semaphore_mem>>) src(%dma_wait3A_154 : memref<40x256xi32, #tpu.memory_space<hbm>>) dst(%dma_wait3A_152 : memref<40x256xi32, #tpu.memory_space<vmem>>)
    %dma_start3A_155 = arith.constant 0 : i32
    %dma_start3A_156 = arith.constant 0 : i32
    %dma_start3A_157 = arith.constant 0 : i32
    %dma_start3A_158 = tpu.memref_slice %arg8[%dma_start3A_155, %dma_start3A_156, %dma_start3A_157] : memref<2x40x256xi32, #tpu.memory_space<vmem>> -> memref<1x40x256xi32, #tpu.memory_space<vmem>>
    %dma_start3A_159 = tpu.memref_squeeze %dma_start3A_158 : memref<1x40x256xi32, #tpu.memory_space<vmem>> -> memref<40x256xi32, #tpu.memory_space<vmem>>
    %dma_start3A_160 = arith.constant 160 : i32
    %dma_start3A_161 = tpu.memref_slice %arg4[%dma_start3A_160, %multiple_of3A] : memref<200x4096xi32, #tpu.memory_space<hbm>> -> memref<40x256xi32, #tpu.memory_space<hbm>>
    %dma_start3A_162 = arith.constant 0 : i32
    %dma_start3A_163 = arith.constant 0 : i32
    %dma_start3A_164 = tpu.memref_slice %arg8[%dma_start3A_155, %dma_start3A_162, %dma_start3A_163] : memref<2x40x256xi32, #tpu.memory_space<vmem>> -> memref<1x40x256xi32, #tpu.memory_space<vmem>>
    %dma_start3A_165 = tpu.memref_squeeze %dma_start3A_164 : memref<1x40x256xi32, #tpu.memory_space<vmem>> -> memref<40x256xi32, #tpu.memory_space<vmem>>
    %dma_start3A_166 = arith.constant 160 : i32
    %dma_start3A_167 = tpu.memref_slice %arg4[%dma_start3A_166, %multiple_of3A] : memref<200x4096xi32, #tpu.memory_space<hbm>> -> memref<40x256xi32, #tpu.memory_space<hbm>>
    tpu.enqueue_dma source(%dma_start3A_167 : memref<40x256xi32, #tpu.memory_space<hbm>>) target(%dma_start3A_165 : memref<40x256xi32, #tpu.memory_space<vmem>>) target_semaphore(%arg10 : memref<!tpu.dma_semaphore, #tpu.memory_space<semaphore_mem>>)
    %parallel_loop3A_168 = arith.constant 0 : i32
    %parallel_loop3A_169 = arith.constant 40 : i32
    %parallel_loop3A_170 = arith.constant 1 : i32
    %parallel_loop3A_171:16 = scf.for %parallel_loop3A_273 = %parallel_loop3A_168 to %parallel_loop3A_169 step %parallel_loop3A_170 iter_args(%parallel_loop3A_274 = %parallel_loop3A_141#0, %parallel_loop3A_275 = %parallel_loop3A_141#1, %parallel_loop3A_276 = %parallel_loop3A_141#2, %parallel_loop3A_277 = %parallel_loop3A_141#3, %parallel_loop3A_278 = %parallel_loop3A_141#4, %parallel_loop3A_279 = %parallel_loop3A_141#5, %parallel_loop3A_280 = %parallel_loop3A_141#6, %parallel_loop3A_281 = %parallel_loop3A_141#7, %parallel_loop3A_282 = %parallel_loop3A_141#8, %parallel_loop3A_283 = %parallel_loop3A_141#9, %parallel_loop3A_284 = %parallel_loop3A_141#10, %parallel_loop3A_285 = %parallel_loop3A_141#11, %parallel_loop3A_286 = %parallel_loop3A_141#12, %parallel_loop3A_287 = %parallel_loop3A_141#13, %parallel_loop3A_288 = %parallel_loop3A_141#14, %parallel_loop3A_289 = %parallel_loop3A_141#15) -> (vector<16xf32>, vector<16xf32>, vector<16xf32>, vector<16xf32>, vector<16xf32>, vector<16xf32>, vector<16xf32>, vector<16xf32>, vector<16xf32>, vector<16xf32>, vector<16xf32>, vector<16xf32>, vector<16xf32>, vector<16xf32>, vector<16xf32>, vector<16xf32>)  : i32 {
      %parallel_loop3A_290 = arith.constant 1 : i32
      %parallel_loop3A_291 = arith.index_cast %parallel_loop3A_290 : i32 to index
      %parallel_loop3A_292 = arith.index_cast %parallel_loop3A_273 : i32 to index
      %parallel_loop3A_293 = arith.constant 0 : index
      %parallel_loop3A_294 = tpu.vector_load %arg8[%parallel_loop3A_291, %parallel_loop3A_292, %parallel_loop3A_293] {strides = array<i32>} : memref<2x40x256xi32, #tpu.memory_space<vmem>>, vector<16xi32>,
      %parallel_loop3A_295 = tpu.vector_load_idx %arg6[%parallel_loop3A_294] : memref<102400xf32, #tpu.memory_space<vmem>>[vector<16xi32>], vector<16xf32>,
      %parallel_loop3A_296 = arith.addf %parallel_loop3A_274, %parallel_loop3A_295 : vector<16xf32>
      %parallel_loop3A_297 = arith.constant 1 : i32
      %parallel_loop3A_298 = arith.index_cast %parallel_loop3A_297 : i32 to index
      %parallel_loop3A_299 = arith.index_cast %parallel_loop3A_273 : i32 to index
      %parallel_loop3A_300 = arith.constant 16 : index
      %parallel_loop3A_301 = tpu.vector_load %arg8[%parallel_loop3A_298, %parallel_loop3A_299, %parallel_loop3A_300] {strides = array<i32>} : memref<2x40x256xi32, #tpu.memory_space<vmem>>, vector<16xi32>,
      %parallel_loop3A_302 = tpu.vector_load_idx %arg6[%parallel_loop3A_301] : memref<102400xf32, #tpu.memory_space<vmem>>[vector<16xi32>], vector<16xf32>,
      %parallel_loop3A_303 = arith.addf %parallel_loop3A_275, %parallel_loop3A_302 : vector<16xf32>
      %parallel_loop3A_304 = arith.constant 1 : i32
      %parallel_loop3A_305 = arith.index_cast %parallel_loop3A_304 : i32 to index
      %parallel_loop3A_306 = arith.index_cast %parallel_loop3A_273 : i32 to index
      %parallel_loop3A_307 = arith.constant 32 : index
      %parallel_loop3A_308 = tpu.vector_load %arg8[%parallel_loop3A_305, %parallel_loop3A_306, %parallel_loop3A_307] {strides = array<i32>} : memref<2x40x256xi32, #tpu.memory_space<vmem>>, vector<16xi32>,
      %parallel_loop3A_309 = tpu.vector_load_idx %arg6[%parallel_loop3A_308] : memref<102400xf32, #tpu.memory_space<vmem>>[vector<16xi32>], vector<16xf32>,
      %parallel_loop3A_310 = arith.addf %parallel_loop3A_276, %parallel_loop3A_309 : vector<16xf32>
      %parallel_loop3A_311 = arith.constant 1 : i32
      %parallel_loop3A_312 = arith.index_cast %parallel_loop3A_311 : i32 to index
      %parallel_loop3A_313 = arith.index_cast %parallel_loop3A_273 : i32 to index
      %parallel_loop3A_314 = arith.constant 48 : index
      %parallel_loop3A_315 = tpu.vector_load %arg8[%parallel_loop3A_312, %parallel_loop3A_313, %parallel_loop3A_314] {strides = array<i32>} : memref<2x40x256xi32, #tpu.memory_space<vmem>>, vector<16xi32>,
      %parallel_loop3A_316 = tpu.vector_load_idx %arg6[%parallel_loop3A_315] : memref<102400xf32, #tpu.memory_space<vmem>>[vector<16xi32>], vector<16xf32>,
      %parallel_loop3A_317 = arith.addf %parallel_loop3A_277, %parallel_loop3A_316 : vector<16xf32>
      %parallel_loop3A_318 = arith.constant 1 : i32
      %parallel_loop3A_319 = arith.index_cast %parallel_loop3A_318 : i32 to index
      %parallel_loop3A_320 = arith.index_cast %parallel_loop3A_273 : i32 to index
      %parallel_loop3A_321 = arith.constant 64 : index
      %parallel_loop3A_322 = tpu.vector_load %arg8[%parallel_loop3A_319, %parallel_loop3A_320, %parallel_loop3A_321] {strides = array<i32>} : memref<2x40x256xi32, #tpu.memory_space<vmem>>, vector<16xi32>,
      %parallel_loop3A_323 = tpu.vector_load_idx %arg6[%parallel_loop3A_322] : memref<102400xf32, #tpu.memory_space<vmem>>[vector<16xi32>], vector<16xf32>,
      %parallel_loop3A_324 = arith.addf %parallel_loop3A_278, %parallel_loop3A_323 : vector<16xf32>
      %parallel_loop3A_325 = arith.constant 1 : i32
      %parallel_loop3A_326 = arith.index_cast %parallel_loop3A_325 : i32 to index
      %parallel_loop3A_327 = arith.index_cast %parallel_loop3A_273 : i32 to index
      %parallel_loop3A_328 = arith.constant 80 : index
      %parallel_loop3A_329 = tpu.vector_load %arg8[%parallel_loop3A_326, %parallel_loop3A_327, %parallel_loop3A_328] {strides = array<i32>} : memref<2x40x256xi32, #tpu.memory_space<vmem>>, vector<16xi32>,
      %parallel_loop3A_330 = tpu.vector_load_idx %arg6[%parallel_loop3A_329] : memref<102400xf32, #tpu.memory_space<vmem>>[vector<16xi32>], vector<16xf32>,
      %parallel_loop3A_331 = arith.addf %parallel_loop3A_279, %parallel_loop3A_330 : vector<16xf32>
      %parallel_loop3A_332 = arith.constant 1 : i32
      %parallel_loop3A_333 = arith.index_cast %parallel_loop3A_332 : i32 to index
      %parallel_loop3A_334 = arith.index_cast %parallel_loop3A_273 : i32 to index
      %parallel_loop3A_335 = arith.constant 96 : index
      %parallel_loop3A_336 = tpu.vector_load %arg8[%parallel_loop3A_333, %parallel_loop3A_334, %parallel_loop3A_335] {strides = array<i32>} : memref<2x40x256xi32, #tpu.memory_space<vmem>>, vector<16xi32>,
      %parallel_loop3A_337 = tpu.vector_load_idx %arg6[%parallel_loop3A_336] : memref<102400xf32, #tpu.memory_space<vmem>>[vector<16xi32>], vector<16xf32>,
      %parallel_loop3A_338 = arith.addf %parallel_loop3A_280, %parallel_loop3A_337 : vector<16xf32>
      %parallel_loop3A_339 = arith.constant 1 : i32
      %parallel_loop3A_340 = arith.index_cast %parallel_loop3A_339 : i32 to index
      %parallel_loop3A_341 = arith.index_cast %parallel_loop3A_273 : i32 to index
      %parallel_loop3A_342 = arith.constant 112 : index
      %parallel_loop3A_343 = tpu.vector_load %arg8[%parallel_loop3A_340, %parallel_loop3A_341, %parallel_loop3A_342] {strides = array<i32>} : memref<2x40x256xi32, #tpu.memory_space<vmem>>, vector<16xi32>,
      %parallel_loop3A_344 = tpu.vector_load_idx %arg6[%parallel_loop3A_343] : memref<102400xf32, #tpu.memory_space<vmem>>[vector<16xi32>], vector<16xf32>,
      %parallel_loop3A_345 = arith.addf %parallel_loop3A_281, %parallel_loop3A_344 : vector<16xf32>
      %parallel_loop3A_346 = arith.constant 1 : i32
      %parallel_loop3A_347 = arith.index_cast %parallel_loop3A_346 : i32 to index
      %parallel_loop3A_348 = arith.index_cast %parallel_loop3A_273 : i32 to index
      %parallel_loop3A_349 = arith.constant 128 : index
      %parallel_loop3A_350 = tpu.vector_load %arg8[%parallel_loop3A_347, %parallel_loop3A_348, %parallel_loop3A_349] {strides = array<i32>} : memref<2x40x256xi32, #tpu.memory_space<vmem>>, vector<16xi32>,
      %parallel_loop3A_351 = tpu.vector_load_idx %arg6[%parallel_loop3A_350] : memref<102400xf32, #tpu.memory_space<vmem>>[vector<16xi32>], vector<16xf32>,
      %parallel_loop3A_352 = arith.addf %parallel_loop3A_282, %parallel_loop3A_351 : vector<16xf32>
      %parallel_loop3A_353 = arith.constant 1 : i32
      %parallel_loop3A_354 = arith.index_cast %parallel_loop3A_353 : i32 to index
      %parallel_loop3A_355 = arith.index_cast %parallel_loop3A_273 : i32 to index
      %parallel_loop3A_356 = arith.constant 144 : index
      %parallel_loop3A_357 = tpu.vector_load %arg8[%parallel_loop3A_354, %parallel_loop3A_355, %parallel_loop3A_356] {strides = array<i32>} : memref<2x40x256xi32, #tpu.memory_space<vmem>>, vector<16xi32>,
      %parallel_loop3A_358 = tpu.vector_load_idx %arg6[%parallel_loop3A_357] : memref<102400xf32, #tpu.memory_space<vmem>>[vector<16xi32>], vector<16xf32>,
      %parallel_loop3A_359 = arith.addf %parallel_loop3A_283, %parallel_loop3A_358 : vector<16xf32>
      %parallel_loop3A_360 = arith.constant 1 : i32
      %parallel_loop3A_361 = arith.index_cast %parallel_loop3A_360 : i32 to index
      %parallel_loop3A_362 = arith.index_cast %parallel_loop3A_273 : i32 to index
      %parallel_loop3A_363 = arith.constant 160 : index
      %parallel_loop3A_364 = tpu.vector_load %arg8[%parallel_loop3A_361, %parallel_loop3A_362, %parallel_loop3A_363] {strides = array<i32>} : memref<2x40x256xi32, #tpu.memory_space<vmem>>, vector<16xi32>,
      %parallel_loop3A_365 = tpu.vector_load_idx %arg6[%parallel_loop3A_364] : memref<102400xf32, #tpu.memory_space<vmem>>[vector<16xi32>], vector<16xf32>,
      %parallel_loop3A_366 = arith.addf %parallel_loop3A_284, %parallel_loop3A_365 : vector<16xf32>
      %parallel_loop3A_367 = arith.constant 1 : i32
      %parallel_loop3A_368 = arith.index_cast %parallel_loop3A_367 : i32 to index
      %parallel_loop3A_369 = arith.index_cast %parallel_loop3A_273 : i32 to index
      %parallel_loop3A_370 = arith.constant 176 : index
      %parallel_loop3A_371 = tpu.vector_load %arg8[%parallel_loop3A_368, %parallel_loop3A_369, %parallel_loop3A_370] {strides = array<i32>} : memref<2x40x256xi32, #tpu.memory_space<vmem>>, vector<16xi32>,
      %parallel_loop3A_372 = tpu.vector_load_idx %arg6[%parallel_loop3A_371] : memref<102400xf32, #tpu.memory_space<vmem>>[vector<16xi32>], vector<16xf32>,
      %parallel_loop3A_373 = arith.addf %parallel_loop3A_285, %parallel_loop3A_372 : vector<16xf32>
      %parallel_loop3A_374 = arith.constant 1 : i32
      %parallel_loop3A_375 = arith.index_cast %parallel_loop3A_374 : i32 to index
      %parallel_loop3A_376 = arith.index_cast %parallel_loop3A_273 : i32 to index
      %parallel_loop3A_377 = arith.constant 192 : index
      %parallel_loop3A_378 = tpu.vector_load %arg8[%parallel_loop3A_375, %parallel_loop3A_376, %parallel_loop3A_377] {strides = array<i32>} : memref<2x40x256xi32, #tpu.memory_space<vmem>>, vector<16xi32>,
      %parallel_loop3A_379 = tpu.vector_load_idx %arg6[%parallel_loop3A_378] : memref<102400xf32, #tpu.memory_space<vmem>>[vector<16xi32>], vector<16xf32>,
      %parallel_loop3A_380 = arith.addf %parallel_loop3A_286, %parallel_loop3A_379 : vector<16xf32>
      %parallel_loop3A_381 = arith.constant 1 : i32
      %parallel_loop3A_382 = arith.index_cast %parallel_loop3A_381 : i32 to index
      %parallel_loop3A_383 = arith.index_cast %parallel_loop3A_273 : i32 to index
      %parallel_loop3A_384 = arith.constant 208 : index
      %parallel_loop3A_385 = tpu.vector_load %arg8[%parallel_loop3A_382, %parallel_loop3A_383, %parallel_loop3A_384] {strides = array<i32>} : memref<2x40x256xi32, #tpu.memory_space<vmem>>, vector<16xi32>,
      %parallel_loop3A_386 = tpu.vector_load_idx %arg6[%parallel_loop3A_385] : memref<102400xf32, #tpu.memory_space<vmem>>[vector<16xi32>], vector<16xf32>,
      %parallel_loop3A_387 = arith.addf %parallel_loop3A_287, %parallel_loop3A_386 : vector<16xf32>
      %parallel_loop3A_388 = arith.constant 1 : i32
      %parallel_loop3A_389 = arith.index_cast %parallel_loop3A_388 : i32 to index
      %parallel_loop3A_390 = arith.index_cast %parallel_loop3A_273 : i32 to index
      %parallel_loop3A_391 = arith.constant 224 : index
      %parallel_loop3A_392 = tpu.vector_load %arg8[%parallel_loop3A_389, %parallel_loop3A_390, %parallel_loop3A_391] {strides = array<i32>} : memref<2x40x256xi32, #tpu.memory_space<vmem>>, vector<16xi32>,
      %parallel_loop3A_393 = tpu.vector_load_idx %arg6[%parallel_loop3A_392] : memref<102400xf32, #tpu.memory_space<vmem>>[vector<16xi32>], vector<16xf32>,
      %parallel_loop3A_394 = arith.addf %parallel_loop3A_288, %parallel_loop3A_393 : vector<16xf32>
      %parallel_loop3A_395 = arith.constant 1 : i32
      %parallel_loop3A_396 = arith.index_cast %parallel_loop3A_395 : i32 to index
      %parallel_loop3A_397 = arith.index_cast %parallel_loop3A_273 : i32 to index
      %parallel_loop3A_398 = arith.constant 240 : index
      %parallel_loop3A_399 = tpu.vector_load %arg8[%parallel_loop3A_396, %parallel_loop3A_397, %parallel_loop3A_398] {strides = array<i32>} : memref<2x40x256xi32, #tpu.memory_space<vmem>>, vector<16xi32>,
      %parallel_loop3A_400 = tpu.vector_load_idx %arg6[%parallel_loop3A_399] : memref<102400xf32, #tpu.memory_space<vmem>>[vector<16xi32>], vector<16xf32>,
      %parallel_loop3A_401 = arith.addf %parallel_loop3A_289, %parallel_loop3A_400 : vector<16xf32>
      scf.yield %parallel_loop3A_296, %parallel_loop3A_303, %parallel_loop3A_310, %parallel_loop3A_317, %parallel_loop3A_324, %parallel_loop3A_331, %parallel_loop3A_338, %parallel_loop3A_345, %parallel_loop3A_352, %parallel_loop3A_359, %parallel_loop3A_366, %parallel_loop3A_373, %parallel_loop3A_380, %parallel_loop3A_387, %parallel_loop3A_394, %parallel_loop3A_401 : vector<16xf32>, vector<16xf32>, vector<16xf32>, vector<16xf32>, vector<16xf32>, vector<16xf32>, vector<16xf32>, vector<16xf32>, vector<16xf32>, vector<16xf32>, vector<16xf32>, vector<16xf32>, vector<16xf32>, vector<16xf32>, vector<16xf32>, vector<16xf32>
    } {sc.loop_unroll_factor = 2 : i64, sc.parallel_access}
    %dma_wait3A_172 = arith.constant 0 : i32
    %dma_wait3A_173 = arith.constant 0 : i32
    %dma_wait3A_174 = arith.constant 0 : i32
    %dma_wait3A_175 = tpu.memref_slice %arg8[%dma_wait3A_172, %dma_wait3A_173, %dma_wait3A_174] : memref<2x40x256xi32, #tpu.memory_space<vmem>> -> memref<1x40x256xi32, #tpu.memory_space<vmem>>
    %dma_wait3A_176 = tpu.memref_squeeze %dma_wait3A_175 : memref<1x40x256xi32, #tpu.memory_space<vmem>> -> memref<40x256xi32, #tpu.memory_space<vmem>>
    %dma_wait3A_177 = arith.constant 160 : i32
    %dma_wait3A_178 = tpu.memref_slice %arg4[%dma_wait3A_177, %multiple_of3A] : memref<200x4096xi32, #tpu.memory_space<hbm>> -> memref<40x256xi32, #tpu.memory_space<hbm>>
    %dma_wait3A_179 = arith.constant 0 : i32
    %dma_wait3A_180 = arith.constant 0 : i32
    %dma_wait3A_181 = tpu.memref_slice %arg8[%dma_wait3A_172, %dma_wait3A_179, %dma_wait3A_180] : memref<2x40x256xi32, #tpu.memory_space<vmem>> -> memref<1x40x256xi32, #tpu.memory_space<vmem>>
    %dma_wait3A_182 = tpu.memref_squeeze %dma_wait3A_181 : memref<1x40x256xi32, #tpu.memory_space<vmem>> -> memref<40x256xi32, #tpu.memory_space<vmem>>
    %dma_wait3A_183 = arith.constant 160 : i32
    %dma_wait3A_184 = tpu.memref_slice %arg4[%dma_wait3A_183, %multiple_of3A] : memref<200x4096xi32, #tpu.memory_space<hbm>> -> memref<40x256xi32, #tpu.memory_space<hbm>>
    tpu.wait_dma2 semaphore(%arg10 : memref<!tpu.dma_semaphore, #tpu.memory_space<semaphore_mem>>) src(%dma_wait3A_184 : memref<40x256xi32, #tpu.memory_space<hbm>>) dst(%dma_wait3A_182 : memref<40x256xi32, #tpu.memory_space<vmem>>)
    %parallel_loop3A_185 = arith.constant 0 : i32
    %parallel_loop3A_186 = arith.constant 40 : i32
    %parallel_loop3A_187 = arith.constant 1 : i32
    %parallel_loop3A_188:16 = scf.for %parallel_loop3A_273 = %parallel_loop3A_185 to %parallel_loop3A_186 step %parallel_loop3A_187 iter_args(%parallel_loop3A_274 = %parallel_loop3A_171#0, %parallel_loop3A_275 = %parallel_loop3A_171#1, %parallel_loop3A_276 = %parallel_loop3A_171#2, %parallel_loop3A_277 = %parallel_loop3A_171#3, %parallel_loop3A_278 = %parallel_loop3A_171#4, %parallel_loop3A_279 = %parallel_loop3A_171#5, %parallel_loop3A_280 = %parallel_loop3A_171#6, %parallel_loop3A_281 = %parallel_loop3A_171#7, %parallel_loop3A_282 = %parallel_loop3A_171#8, %parallel_loop3A_283 = %parallel_loop3A_171#9, %parallel_loop3A_284 = %parallel_loop3A_171#10, %parallel_loop3A_285 = %parallel_loop3A_171#11, %parallel_loop3A_286 = %parallel_loop3A_171#12, %parallel_loop3A_287 = %parallel_loop3A_171#13, %parallel_loop3A_288 = %parallel_loop3A_171#14, %parallel_loop3A_289 = %parallel_loop3A_171#15) -> (vector<16xf32>, vector<16xf32>, vector<16xf32>, vector<16xf32>, vector<16xf32>, vector<16xf32>, vector<16xf32>, vector<16xf32>, vector<16xf32>, vector<16xf32>, vector<16xf32>, vector<16xf32>, vector<16xf32>, vector<16xf32>, vector<16xf32>, vector<16xf32>)  : i32 {
      %parallel_loop3A_290 = arith.constant 0 : i32
      %parallel_loop3A_291 = arith.index_cast %parallel_loop3A_290 : i32 to index
      %parallel_loop3A_292 = arith.index_cast %parallel_loop3A_273 : i32 to index
      %parallel_loop3A_293 = arith.constant 0 : index
      %parallel_loop3A_294 = tpu.vector_load %arg8[%parallel_loop3A_291, %parallel_loop3A_292, %parallel_loop3A_293] {strides = array<i32>} : memref<2x40x256xi32, #tpu.memory_space<vmem>>, vector<16xi32>,
      %parallel_loop3A_295 = tpu.vector_load_idx %arg6[%parallel_loop3A_294] : memref<102400xf32, #tpu.memory_space<vmem>>[vector<16xi32>], vector<16xf32>,
      %parallel_loop3A_296 = arith.addf %parallel_loop3A_274, %parallel_loop3A_295 : vector<16xf32>
      %parallel_loop3A_297 = arith.constant 0 : i32
      %parallel_loop3A_298 = arith.index_cast %parallel_loop3A_297 : i32 to index
      %parallel_loop3A_299 = arith.index_cast %parallel_loop3A_273 : i32 to index
      %parallel_loop3A_300 = arith.constant 16 : index
      %parallel_loop3A_301 = tpu.vector_load %arg8[%parallel_loop3A_298, %parallel_loop3A_299, %parallel_loop3A_300] {strides = array<i32>} : memref<2x40x256xi32, #tpu.memory_space<vmem>>, vector<16xi32>,
      %parallel_loop3A_302 = tpu.vector_load_idx %arg6[%parallel_loop3A_301] : memref<102400xf32, #tpu.memory_space<vmem>>[vector<16xi32>], vector<16xf32>,
      %parallel_loop3A_303 = arith.addf %parallel_loop3A_275, %parallel_loop3A_302 : vector<16xf32>
      %parallel_loop3A_304 = arith.constant 0 : i32
      %parallel_loop3A_305 = arith.index_cast %parallel_loop3A_304 : i32 to index
      %parallel_loop3A_306 = arith.index_cast %parallel_loop3A_273 : i32 to index
      %parallel_loop3A_307 = arith.constant 32 : index
      %parallel_loop3A_308 = tpu.vector_load %arg8[%parallel_loop3A_305, %parallel_loop3A_306, %parallel_loop3A_307] {strides = array<i32>} : memref<2x40x256xi32, #tpu.memory_space<vmem>>, vector<16xi32>,
      %parallel_loop3A_309 = tpu.vector_load_idx %arg6[%parallel_loop3A_308] : memref<102400xf32, #tpu.memory_space<vmem>>[vector<16xi32>], vector<16xf32>,
      %parallel_loop3A_310 = arith.addf %parallel_loop3A_276, %parallel_loop3A_309 : vector<16xf32>
      %parallel_loop3A_311 = arith.constant 0 : i32
      %parallel_loop3A_312 = arith.index_cast %parallel_loop3A_311 : i32 to index
      %parallel_loop3A_313 = arith.index_cast %parallel_loop3A_273 : i32 to index
      %parallel_loop3A_314 = arith.constant 48 : index
      %parallel_loop3A_315 = tpu.vector_load %arg8[%parallel_loop3A_312, %parallel_loop3A_313, %parallel_loop3A_314] {strides = array<i32>} : memref<2x40x256xi32, #tpu.memory_space<vmem>>, vector<16xi32>,
      %parallel_loop3A_316 = tpu.vector_load_idx %arg6[%parallel_loop3A_315] : memref<102400xf32, #tpu.memory_space<vmem>>[vector<16xi32>], vector<16xf32>,
      %parallel_loop3A_317 = arith.addf %parallel_loop3A_277, %parallel_loop3A_316 : vector<16xf32>
      %parallel_loop3A_318 = arith.constant 0 : i32
      %parallel_loop3A_319 = arith.index_cast %parallel_loop3A_318 : i32 to index
      %parallel_loop3A_320 = arith.index_cast %parallel_loop3A_273 : i32 to index
      %parallel_loop3A_321 = arith.constant 64 : index
      %parallel_loop3A_322 = tpu.vector_load %arg8[%parallel_loop3A_319, %parallel_loop3A_320, %parallel_loop3A_321] {strides = array<i32>} : memref<2x40x256xi32, #tpu.memory_space<vmem>>, vector<16xi32>,
      %parallel_loop3A_323 = tpu.vector_load_idx %arg6[%parallel_loop3A_322] : memref<102400xf32, #tpu.memory_space<vmem>>[vector<16xi32>], vector<16xf32>,
      %parallel_loop3A_324 = arith.addf %parallel_loop3A_278, %parallel_loop3A_323 : vector<16xf32>
      %parallel_loop3A_325 = arith.constant 0 : i32
      %parallel_loop3A_326 = arith.index_cast %parallel_loop3A_325 : i32 to index
      %parallel_loop3A_327 = arith.index_cast %parallel_loop3A_273 : i32 to index
      %parallel_loop3A_328 = arith.constant 80 : index
      %parallel_loop3A_329 = tpu.vector_load %arg8[%parallel_loop3A_326, %parallel_loop3A_327, %parallel_loop3A_328] {strides = array<i32>} : memref<2x40x256xi32, #tpu.memory_space<vmem>>, vector<16xi32>,
      %parallel_loop3A_330 = tpu.vector_load_idx %arg6[%parallel_loop3A_329] : memref<102400xf32, #tpu.memory_space<vmem>>[vector<16xi32>], vector<16xf32>,
      %parallel_loop3A_331 = arith.addf %parallel_loop3A_279, %parallel_loop3A_330 : vector<16xf32>
      %parallel_loop3A_332 = arith.constant 0 : i32
      %parallel_loop3A_333 = arith.index_cast %parallel_loop3A_332 : i32 to index
      %parallel_loop3A_334 = arith.index_cast %parallel_loop3A_273 : i32 to index
      %parallel_loop3A_335 = arith.constant 96 : index
      %parallel_loop3A_336 = tpu.vector_load %arg8[%parallel_loop3A_333, %parallel_loop3A_334, %parallel_loop3A_335] {strides = array<i32>} : memref<2x40x256xi32, #tpu.memory_space<vmem>>, vector<16xi32>,
      %parallel_loop3A_337 = tpu.vector_load_idx %arg6[%parallel_loop3A_336] : memref<102400xf32, #tpu.memory_space<vmem>>[vector<16xi32>], vector<16xf32>,
      %parallel_loop3A_338 = arith.addf %parallel_loop3A_280, %parallel_loop3A_337 : vector<16xf32>
      %parallel_loop3A_339 = arith.constant 0 : i32
      %parallel_loop3A_340 = arith.index_cast %parallel_loop3A_339 : i32 to index
      %parallel_loop3A_341 = arith.index_cast %parallel_loop3A_273 : i32 to index
      %parallel_loop3A_342 = arith.constant 112 : index
      %parallel_loop3A_343 = tpu.vector_load %arg8[%parallel_loop3A_340, %parallel_loop3A_341, %parallel_loop3A_342] {strides = array<i32>} : memref<2x40x256xi32, #tpu.memory_space<vmem>>, vector<16xi32>,
      %parallel_loop3A_344 = tpu.vector_load_idx %arg6[%parallel_loop3A_343] : memref<102400xf32, #tpu.memory_space<vmem>>[vector<16xi32>], vector<16xf32>,
      %parallel_loop3A_345 = arith.addf %parallel_loop3A_281, %parallel_loop3A_344 : vector<16xf32>
      %parallel_loop3A_346 = arith.constant 0 : i32
      %parallel_loop3A_347 = arith.index_cast %parallel_loop3A_346 : i32 to index
      %parallel_loop3A_348 = arith.index_cast %parallel_loop3A_273 : i32 to index
      %parallel_loop3A_349 = arith.constant 128 : index
      %parallel_loop3A_350 = tpu.vector_load %arg8[%parallel_loop3A_347, %parallel_loop3A_348, %parallel_loop3A_349] {strides = array<i32>} : memref<2x40x256xi32, #tpu.memory_space<vmem>>, vector<16xi32>,
      %parallel_loop3A_351 = tpu.vector_load_idx %arg6[%parallel_loop3A_350] : memref<102400xf32, #tpu.memory_space<vmem>>[vector<16xi32>], vector<16xf32>,
      %parallel_loop3A_352 = arith.addf %parallel_loop3A_282, %parallel_loop3A_351 : vector<16xf32>
      %parallel_loop3A_353 = arith.constant 0 : i32
      %parallel_loop3A_354 = arith.index_cast %parallel_loop3A_353 : i32 to index
      %parallel_loop3A_355 = arith.index_cast %parallel_loop3A_273 : i32 to index
      %parallel_loop3A_356 = arith.constant 144 : index
      %parallel_loop3A_357 = tpu.vector_load %arg8[%parallel_loop3A_354, %parallel_loop3A_355, %parallel_loop3A_356] {strides = array<i32>} : memref<2x40x256xi32, #tpu.memory_space<vmem>>, vector<16xi32>,
      %parallel_loop3A_358 = tpu.vector_load_idx %arg6[%parallel_loop3A_357] : memref<102400xf32, #tpu.memory_space<vmem>>[vector<16xi32>], vector<16xf32>,
      %parallel_loop3A_359 = arith.addf %parallel_loop3A_283, %parallel_loop3A_358 : vector<16xf32>
      %parallel_loop3A_360 = arith.constant 0 : i32
      %parallel_loop3A_361 = arith.index_cast %parallel_loop3A_360 : i32 to index
      %parallel_loop3A_362 = arith.index_cast %parallel_loop3A_273 : i32 to index
      %parallel_loop3A_363 = arith.constant 160 : index
      %parallel_loop3A_364 = tpu.vector_load %arg8[%parallel_loop3A_361, %parallel_loop3A_362, %parallel_loop3A_363] {strides = array<i32>} : memref<2x40x256xi32, #tpu.memory_space<vmem>>, vector<16xi32>,
      %parallel_loop3A_365 = tpu.vector_load_idx %arg6[%parallel_loop3A_364] : memref<102400xf32, #tpu.memory_space<vmem>>[vector<16xi32>], vector<16xf32>,
      %parallel_loop3A_366 = arith.addf %parallel_loop3A_284, %parallel_loop3A_365 : vector<16xf32>
      %parallel_loop3A_367 = arith.constant 0 : i32
      %parallel_loop3A_368 = arith.index_cast %parallel_loop3A_367 : i32 to index
      %parallel_loop3A_369 = arith.index_cast %parallel_loop3A_273 : i32 to index
      %parallel_loop3A_370 = arith.constant 176 : index
      %parallel_loop3A_371 = tpu.vector_load %arg8[%parallel_loop3A_368, %parallel_loop3A_369, %parallel_loop3A_370] {strides = array<i32>} : memref<2x40x256xi32, #tpu.memory_space<vmem>>, vector<16xi32>,
      %parallel_loop3A_372 = tpu.vector_load_idx %arg6[%parallel_loop3A_371] : memref<102400xf32, #tpu.memory_space<vmem>>[vector<16xi32>], vector<16xf32>,
      %parallel_loop3A_373 = arith.addf %parallel_loop3A_285, %parallel_loop3A_372 : vector<16xf32>
      %parallel_loop3A_374 = arith.constant 0 : i32
      %parallel_loop3A_375 = arith.index_cast %parallel_loop3A_374 : i32 to index
      %parallel_loop3A_376 = arith.index_cast %parallel_loop3A_273 : i32 to index
      %parallel_loop3A_377 = arith.constant 192 : index
      %parallel_loop3A_378 = tpu.vector_load %arg8[%parallel_loop3A_375, %parallel_loop3A_376, %parallel_loop3A_377] {strides = array<i32>} : memref<2x40x256xi32, #tpu.memory_space<vmem>>, vector<16xi32>,
      %parallel_loop3A_379 = tpu.vector_load_idx %arg6[%parallel_loop3A_378] : memref<102400xf32, #tpu.memory_space<vmem>>[vector<16xi32>], vector<16xf32>,
      %parallel_loop3A_380 = arith.addf %parallel_loop3A_286, %parallel_loop3A_379 : vector<16xf32>
      %parallel_loop3A_381 = arith.constant 0 : i32
      %parallel_loop3A_382 = arith.index_cast %parallel_loop3A_381 : i32 to index
      %parallel_loop3A_383 = arith.index_cast %parallel_loop3A_273 : i32 to index
      %parallel_loop3A_384 = arith.constant 208 : index
      %parallel_loop3A_385 = tpu.vector_load %arg8[%parallel_loop3A_382, %parallel_loop3A_383, %parallel_loop3A_384] {strides = array<i32>} : memref<2x40x256xi32, #tpu.memory_space<vmem>>, vector<16xi32>,
      %parallel_loop3A_386 = tpu.vector_load_idx %arg6[%parallel_loop3A_385] : memref<102400xf32, #tpu.memory_space<vmem>>[vector<16xi32>], vector<16xf32>,
      %parallel_loop3A_387 = arith.addf %parallel_loop3A_287, %parallel_loop3A_386 : vector<16xf32>
      %parallel_loop3A_388 = arith.constant 0 : i32
      %parallel_loop3A_389 = arith.index_cast %parallel_loop3A_388 : i32 to index
      %parallel_loop3A_390 = arith.index_cast %parallel_loop3A_273 : i32 to index
      %parallel_loop3A_391 = arith.constant 224 : index
      %parallel_loop3A_392 = tpu.vector_load %arg8[%parallel_loop3A_389, %parallel_loop3A_390, %parallel_loop3A_391] {strides = array<i32>} : memref<2x40x256xi32, #tpu.memory_space<vmem>>, vector<16xi32>,
      %parallel_loop3A_393 = tpu.vector_load_idx %arg6[%parallel_loop3A_392] : memref<102400xf32, #tpu.memory_space<vmem>>[vector<16xi32>], vector<16xf32>,
      %parallel_loop3A_394 = arith.addf %parallel_loop3A_288, %parallel_loop3A_393 : vector<16xf32>
      %parallel_loop3A_395 = arith.constant 0 : i32
      %parallel_loop3A_396 = arith.index_cast %parallel_loop3A_395 : i32 to index
      %parallel_loop3A_397 = arith.index_cast %parallel_loop3A_273 : i32 to index
      %parallel_loop3A_398 = arith.constant 240 : index
      %parallel_loop3A_399 = tpu.vector_load %arg8[%parallel_loop3A_396, %parallel_loop3A_397, %parallel_loop3A_398] {strides = array<i32>} : memref<2x40x256xi32, #tpu.memory_space<vmem>>, vector<16xi32>,
      %parallel_loop3A_400 = tpu.vector_load_idx %arg6[%parallel_loop3A_399] : memref<102400xf32, #tpu.memory_space<vmem>>[vector<16xi32>], vector<16xf32>,
      %parallel_loop3A_401 = arith.addf %parallel_loop3A_289, %parallel_loop3A_400 : vector<16xf32>
      scf.yield %parallel_loop3A_296, %parallel_loop3A_303, %parallel_loop3A_310, %parallel_loop3A_317, %parallel_loop3A_324, %parallel_loop3A_331, %parallel_loop3A_338, %parallel_loop3A_345, %parallel_loop3A_352, %parallel_loop3A_359, %parallel_loop3A_366, %parallel_loop3A_373, %parallel_loop3A_380, %parallel_loop3A_387, %parallel_loop3A_394, %parallel_loop3A_401 : vector<16xf32>, vector<16xf32>, vector<16xf32>, vector<16xf32>, vector<16xf32>, vector<16xf32>, vector<16xf32>, vector<16xf32>, vector<16xf32>, vector<16xf32>, vector<16xf32>, vector<16xf32>, vector<16xf32>, vector<16xf32>, vector<16xf32>, vector<16xf32>
    } {sc.loop_unroll_factor = 2 : i64, sc.parallel_access}
    %mul3A_189 = arith.constant 5.000000e-03 : f32
    %mul3A_190 = vector.broadcast %mul3A_189 : f32 to vector<16xf32>
    %mul3A_191 = arith.mulf %parallel_loop3A_188#0, %mul3A_190 : vector<16xf32>
    %swap3A = arith.constant 0 : index
    %swap3A_192 = tpu.vector_load %arg9[%swap3A] {strides = array<i32>} : memref<256xf32, #tpu.memory_space<vmem>>, vector<16xf32>,
    tpu.vector_store %arg9[%swap3A], %mul3A_191 {strides = array<i32>} : memref<256xf32, #tpu.memory_space<vmem>>, vector<16xf32>,
    %mul3A_193 = arith.constant 5.000000e-03 : f32
    %mul3A_194 = vector.broadcast %mul3A_193 : f32 to vector<16xf32>
    %mul3A_195 = arith.mulf %parallel_loop3A_188#1, %mul3A_194 : vector<16xf32>
    %swap3A_196 = arith.constant 16 : index
    %swap3A_197 = tpu.vector_load %arg9[%swap3A_196] {strides = array<i32>} : memref<256xf32, #tpu.memory_space<vmem>>, vector<16xf32>,
    tpu.vector_store %arg9[%swap3A_196], %mul3A_195 {strides = array<i32>} : memref<256xf32, #tpu.memory_space<vmem>>, vector<16xf32>,
    %mul3A_198 = arith.constant 5.000000e-03 : f32
    %mul3A_199 = vector.broadcast %mul3A_198 : f32 to vector<16xf32>
    %mul3A_200 = arith.mulf %parallel_loop3A_188#2, %mul3A_199 : vector<16xf32>
    %swap3A_201 = arith.constant 32 : index
    %swap3A_202 = tpu.vector_load %arg9[%swap3A_201] {strides = array<i32>} : memref<256xf32, #tpu.memory_space<vmem>>, vector<16xf32>,
    tpu.vector_store %arg9[%swap3A_201], %mul3A_200 {strides = array<i32>} : memref<256xf32, #tpu.memory_space<vmem>>, vector<16xf32>,
    %mul3A_203 = arith.constant 5.000000e-03 : f32
    %mul3A_204 = vector.broadcast %mul3A_203 : f32 to vector<16xf32>
    %mul3A_205 = arith.mulf %parallel_loop3A_188#3, %mul3A_204 : vector<16xf32>
    %swap3A_206 = arith.constant 48 : index
    %swap3A_207 = tpu.vector_load %arg9[%swap3A_206] {strides = array<i32>} : memref<256xf32, #tpu.memory_space<vmem>>, vector<16xf32>,
    tpu.vector_store %arg9[%swap3A_206], %mul3A_205 {strides = array<i32>} : memref<256xf32, #tpu.memory_space<vmem>>, vector<16xf32>,
    %mul3A_208 = arith.constant 5.000000e-03 : f32
    %mul3A_209 = vector.broadcast %mul3A_208 : f32 to vector<16xf32>
    %mul3A_210 = arith.mulf %parallel_loop3A_188#4, %mul3A_209 : vector<16xf32>
    %swap3A_211 = arith.constant 64 : index
    %swap3A_212 = tpu.vector_load %arg9[%swap3A_211] {strides = array<i32>} : memref<256xf32, #tpu.memory_space<vmem>>, vector<16xf32>,
    tpu.vector_store %arg9[%swap3A_211], %mul3A_210 {strides = array<i32>} : memref<256xf32, #tpu.memory_space<vmem>>, vector<16xf32>,
    %mul3A_213 = arith.constant 5.000000e-03 : f32
    %mul3A_214 = vector.broadcast %mul3A_213 : f32 to vector<16xf32>
    %mul3A_215 = arith.mulf %parallel_loop3A_188#5, %mul3A_214 : vector<16xf32>
    %swap3A_216 = arith.constant 80 : index
    %swap3A_217 = tpu.vector_load %arg9[%swap3A_216] {strides = array<i32>} : memref<256xf32, #tpu.memory_space<vmem>>, vector<16xf32>,
    tpu.vector_store %arg9[%swap3A_216], %mul3A_215 {strides = array<i32>} : memref<256xf32, #tpu.memory_space<vmem>>, vector<16xf32>,
    %mul3A_218 = arith.constant 5.000000e-03 : f32
    %mul3A_219 = vector.broadcast %mul3A_218 : f32 to vector<16xf32>
    %mul3A_220 = arith.mulf %parallel_loop3A_188#6, %mul3A_219 : vector<16xf32>
    %swap3A_221 = arith.constant 96 : index
    %swap3A_222 = tpu.vector_load %arg9[%swap3A_221] {strides = array<i32>} : memref<256xf32, #tpu.memory_space<vmem>>, vector<16xf32>,
    tpu.vector_store %arg9[%swap3A_221], %mul3A_220 {strides = array<i32>} : memref<256xf32, #tpu.memory_space<vmem>>, vector<16xf32>,
    %mul3A_223 = arith.constant 5.000000e-03 : f32
    %mul3A_224 = vector.broadcast %mul3A_223 : f32 to vector<16xf32>
    %mul3A_225 = arith.mulf %parallel_loop3A_188#7, %mul3A_224 : vector<16xf32>
    %swap3A_226 = arith.constant 112 : index
    %swap3A_227 = tpu.vector_load %arg9[%swap3A_226] {strides = array<i32>} : memref<256xf32, #tpu.memory_space<vmem>>, vector<16xf32>,
    tpu.vector_store %arg9[%swap3A_226], %mul3A_225 {strides = array<i32>} : memref<256xf32, #tpu.memory_space<vmem>>, vector<16xf32>,
    %mul3A_228 = arith.constant 5.000000e-03 : f32
    %mul3A_229 = vector.broadcast %mul3A_228 : f32 to vector<16xf32>
    %mul3A_230 = arith.mulf %parallel_loop3A_188#8, %mul3A_229 : vector<16xf32>
    %swap3A_231 = arith.constant 128 : index
    %swap3A_232 = tpu.vector_load %arg9[%swap3A_231] {strides = array<i32>} : memref<256xf32, #tpu.memory_space<vmem>>, vector<16xf32>,
    tpu.vector_store %arg9[%swap3A_231], %mul3A_230 {strides = array<i32>} : memref<256xf32, #tpu.memory_space<vmem>>, vector<16xf32>,
    %mul3A_233 = arith.constant 5.000000e-03 : f32
    %mul3A_234 = vector.broadcast %mul3A_233 : f32 to vector<16xf32>
    %mul3A_235 = arith.mulf %parallel_loop3A_188#9, %mul3A_234 : vector<16xf32>
    %swap3A_236 = arith.constant 144 : index
    %swap3A_237 = tpu.vector_load %arg9[%swap3A_236] {strides = array<i32>} : memref<256xf32, #tpu.memory_space<vmem>>, vector<16xf32>,
    tpu.vector_store %arg9[%swap3A_236], %mul3A_235 {strides = array<i32>} : memref<256xf32, #tpu.memory_space<vmem>>, vector<16xf32>,
    %mul3A_238 = arith.constant 5.000000e-03 : f32
    %mul3A_239 = vector.broadcast %mul3A_238 : f32 to vector<16xf32>
    %mul3A_240 = arith.mulf %parallel_loop3A_188#10, %mul3A_239 : vector<16xf32>
    %swap3A_241 = arith.constant 160 : index
    %swap3A_242 = tpu.vector_load %arg9[%swap3A_241] {strides = array<i32>} : memref<256xf32, #tpu.memory_space<vmem>>, vector<16xf32>,
    tpu.vector_store %arg9[%swap3A_241], %mul3A_240 {strides = array<i32>} : memref<256xf32, #tpu.memory_space<vmem>>, vector<16xf32>,
    %mul3A_243 = arith.constant 5.000000e-03 : f32
    %mul3A_244 = vector.broadcast %mul3A_243 : f32 to vector<16xf32>
    %mul3A_245 = arith.mulf %parallel_loop3A_188#11, %mul3A_244 : vector<16xf32>
    %swap3A_246 = arith.constant 176 : index
    %swap3A_247 = tpu.vector_load %arg9[%swap3A_246] {strides = array<i32>} : memref<256xf32, #tpu.memory_space<vmem>>, vector<16xf32>,
    tpu.vector_store %arg9[%swap3A_246], %mul3A_245 {strides = array<i32>} : memref<256xf32, #tpu.memory_space<vmem>>, vector<16xf32>,
    %mul3A_248 = arith.constant 5.000000e-03 : f32
    %mul3A_249 = vector.broadcast %mul3A_248 : f32 to vector<16xf32>
    %mul3A_250 = arith.mulf %parallel_loop3A_188#12, %mul3A_249 : vector<16xf32>
    %swap3A_251 = arith.constant 192 : index
    %swap3A_252 = tpu.vector_load %arg9[%swap3A_251] {strides = array<i32>} : memref<256xf32, #tpu.memory_space<vmem>>, vector<16xf32>,
    tpu.vector_store %arg9[%swap3A_251], %mul3A_250 {strides = array<i32>} : memref<256xf32, #tpu.memory_space<vmem>>, vector<16xf32>,
    %mul3A_253 = arith.constant 5.000000e-03 : f32
    %mul3A_254 = vector.broadcast %mul3A_253 : f32 to vector<16xf32>
    %mul3A_255 = arith.mulf %parallel_loop3A_188#13, %mul3A_254 : vector<16xf32>
    %swap3A_256 = arith.constant 208 : index
    %swap3A_257 = tpu.vector_load %arg9[%swap3A_256] {strides = array<i32>} : memref<256xf32, #tpu.memory_space<vmem>>, vector<16xf32>,
    tpu.vector_store %arg9[%swap3A_256], %mul3A_255 {strides = array<i32>} : memref<256xf32, #tpu.memory_space<vmem>>, vector<16xf32>,
    %mul3A_258 = arith.constant 5.000000e-03 : f32
    %mul3A_259 = vector.broadcast %mul3A_258 : f32 to vector<16xf32>
    %mul3A_260 = arith.mulf %parallel_loop3A_188#14, %mul3A_259 : vector<16xf32>
    %swap3A_261 = arith.constant 224 : index
    %swap3A_262 = tpu.vector_load %arg9[%swap3A_261] {strides = array<i32>} : memref<256xf32, #tpu.memory_space<vmem>>, vector<16xf32>,
    tpu.vector_store %arg9[%swap3A_261], %mul3A_260 {strides = array<i32>} : memref<256xf32, #tpu.memory_space<vmem>>, vector<16xf32>,
    %mul3A_263 = arith.constant 5.000000e-03 : f32
    %mul3A_264 = vector.broadcast %mul3A_263 : f32 to vector<16xf32>
    %mul3A_265 = arith.mulf %parallel_loop3A_188#15, %mul3A_264 : vector<16xf32>
    %swap3A_266 = arith.constant 240 : index
    %swap3A_267 = tpu.vector_load %arg9[%swap3A_266] {strides = array<i32>} : memref<256xf32, #tpu.memory_space<vmem>>, vector<16xf32>,
    tpu.vector_store %arg9[%swap3A_266], %mul3A_265 {strides = array<i32>} : memref<256xf32, #tpu.memory_space<vmem>>, vector<16xf32>,
    %mul3A_268 = arith.constant 4096 : i32
    %mul3A_269 = arith.muli %arg0, %mul3A_268 : i32
    %mul3A_270 = arith.constant 256 : i32
    %mul3A_271 = arith.muli %arg1, %mul3A_270 : i32
    %add3A = arith.addi %mul3A_269, %mul3A_271 : i32
    %multiple_of3A_272 = tpu.assume_multiple %add3A, 128 : i32
    "tpu.region"() ({
      %run_scoped3A = tpu.sem_alloc : memref<!tpu.dma_semaphore, #tpu.memory_space<semaphore_mem>>
      %dma_start3A_273 = tpu.memref_slice %arg5[%multiple_of3A_272] : memref<8192xf32, #tpu.memory_space<hbm>> -> memref<256xf32, #tpu.memory_space<hbm>>
      %dma_start3A_274 = tpu.memref_slice %arg5[%multiple_of3A_272] : memref<8192xf32, #tpu.memory_space<hbm>> -> memref<256xf32, #tpu.memory_space<hbm>>
      tpu.enqueue_dma source(%arg9 : memref<256xf32, #tpu.memory_space<vmem>>) target(%dma_start3A_274 : memref<256xf32, #tpu.memory_space<hbm>>) target_semaphore(%run_scoped3A : memref<!tpu.dma_semaphore, #tpu.memory_space<semaphore_mem>>)
      %dma_wait3A_275 = tpu.memref_slice %arg5[%multiple_of3A_272] : memref<8192xf32, #tpu.memory_space<hbm>> -> memref<256xf32, #tpu.memory_space<hbm>>
      %dma_wait3A_276 = tpu.memref_slice %arg5[%multiple_of3A_272] : memref<8192xf32, #tpu.memory_space<hbm>> -> memref<256xf32, #tpu.memory_space<hbm>>
      tpu.wait_dma2 semaphore(%run_scoped3A : memref<!tpu.dma_semaphore, #tpu.memory_space<semaphore_mem>>) src(%arg9 : memref<256xf32, #tpu.memory_space<vmem>>) dst(%dma_wait3A_276 : memref<256xf32, #tpu.memory_space<hbm>>)
      tpu.yield
    }) : () -> ()
    return
  }
}

module attributes {stable_mosaic.version = 14 : i64} {
  func.func @body(%arg0: i32, %arg1: memref<2x64xf32, #tpu.memory_space<vmem>>, %arg2: memref<64x25600xf32, #tpu.memory_space<vmem>>, %arg3: memref<2xf32, #tpu.memory_space<smem>>, %arg4: memref<25600xf32, #tpu.memory_space<vmem>>, %arg5: memref<25600xf32, #tpu.memory_space<vmem>>) attributes {dimension_semantics = [#tpu.dimension_semantics<arbitrary>], iteration_bounds = array<i64: 4>, scalar_prefetch = 0 : i64, scratch_operands = 0 : i64, tpu.core_type = #tpu.core_type<tc>, window_params = [{pipeline_mode = #tpu.pipeline_mode<synchronous>, transform_indices = @transform_0, window_bounds = array<i64: 2, 64>}, {transform_indices = @transform_1, window_bounds = array<i64: 64, 25600>}, {transform_indices = @transform_2, window_bounds = array<i64: 2>}, {transform_indices = @transform_3, window_bounds = array<i64: 25600>}, {transform_indices = @transform_4, window_bounds = array<i64: 25600>}]} {
    %get3A = arith.constant 0 : index
    %get3A_0 = arith.constant 0 : index
    %get3A_1 = vector.load %arg2[%get3A, %get3A_0] : memref<64x25600xf32, #tpu.memory_space<vmem>>, vector<64x25600xf32>
    %mul3A = arith.constant 25600 : i32
    %mul3A_2 = arith.muli %arg0, %mul3A : i32
    %iota3A = tpu.iota {dimensions = array<i32: 1>} : vector<1x25600xi32>
    %add3A = vector.broadcast %mul3A_2 : i32 to vector<1x25600xi32>
    %add3A_3 = arith.addi %add3A, %iota3A : vector<1x25600xi32>
    %get3A_4 = arith.constant 0 : index
    %get3A_5 = arith.constant 0 : index
    %get3A_6 = vector.load %arg1[%get3A_4, %get3A_5] : memref<2x64xf32, #tpu.memory_space<vmem>>, vector<1x64xf32>
    %dot_general3A = arith.constant dense<0.000000e+00> : vector<1x25600xf32>
    %dot_general3A_7 = tpu.matmul %get3A_6, %get3A_1, %dot_general3A {dimension_numbers = #tpu.dot_dimension_numbers<[1], [0], [0], [1], [0, 0, 1, 1], [], []>, transpose_lhs_hint = false} : vector<1x64xf32>, vector<64x25600xf32>, vector<1x25600xf32> -> vector<1x25600xf32>
    %eq3A = arith.constant 0 : i32
    %eq3A_8 = vector.broadcast %eq3A : i32 to vector<1x25600xi32>
    %eq3A_9 = arith.cmpi eq, %add3A_3, %eq3A_8 : vector<1x25600xi32>
    %jit3A = arith.constant 0.000000e+00 : f32
    %broadcast_in_dim3A = vector.broadcast %jit3A : f32 to vector<1x25600xf32>
    %select_n3A = arith.select %eq3A_9, %broadcast_in_dim3A, %dot_general3A_7 : vector<1x25600xi1>, vector<1x25600xf32>
    %get3A_10 = arith.constant 0 : index
    %get3A_11 = memref.load %arg3[%get3A_10] : memref<2xf32, #tpu.memory_space<smem>>
    %add3A_12 = vector.broadcast %get3A_11 : f32 to vector<1x25600xf32>
    %add3A_13 = arith.addf %select_n3A, %add3A_12 : vector<1x25600xf32>
    %reshape3A = vector.shape_cast %add3A_13 : vector<1x25600xf32> to vector<25600xf32>
    %swap3A = arith.constant 0 : index
    %swap3A_14 = vector.load %arg4[%swap3A] : memref<25600xf32, #tpu.memory_space<vmem>>, vector<25600xf32>
    tpu.vector_store %arg4[%swap3A], %reshape3A {strides = array<i32>} : memref<25600xf32, #tpu.memory_space<vmem>>, vector<25600xf32>,
    %get3A_15 = arith.constant 1 : index
    %get3A_16 = arith.constant 0 : index
    %get3A_17 = vector.load %arg1[%get3A_15, %get3A_16] : memref<2x64xf32, #tpu.memory_space<vmem>>, vector<1x64xf32>
    %dot_general3A_18 = arith.constant dense<0.000000e+00> : vector<1x25600xf32>
    %dot_general3A_19 = tpu.matmul %get3A_17, %get3A_1, %dot_general3A_18 {dimension_numbers = #tpu.dot_dimension_numbers<[1], [0], [0], [1], [0, 0, 1, 1], [], []>, transpose_lhs_hint = false} : vector<1x64xf32>, vector<64x25600xf32>, vector<1x25600xf32> -> vector<1x25600xf32>
    %eq3A_20 = arith.constant 0 : i32
    %eq3A_21 = vector.broadcast %eq3A_20 : i32 to vector<1x25600xi32>
    %eq3A_22 = arith.cmpi eq, %add3A_3, %eq3A_21 : vector<1x25600xi32>
    %jit3A_23 = arith.constant 0.000000e+00 : f32
    %broadcast_in_dim3A_24 = vector.broadcast %jit3A_23 : f32 to vector<1x25600xf32>
    %select_n3A_25 = arith.select %eq3A_22, %broadcast_in_dim3A_24, %dot_general3A_19 : vector<1x25600xi1>, vector<1x25600xf32>
    %get3A_26 = arith.constant 1 : index
    %get3A_27 = memref.load %arg3[%get3A_26] : memref<2xf32, #tpu.memory_space<smem>>
    %add3A_28 = vector.broadcast %get3A_27 : f32 to vector<1x25600xf32>
    %add3A_29 = arith.addf %select_n3A_25, %add3A_28 : vector<1x25600xf32>
    %reshape3A_30 = vector.shape_cast %add3A_29 : vector<1x25600xf32> to vector<25600xf32>
    %swap3A_31 = arith.constant 0 : index
    %swap3A_32 = vector.load %arg5[%swap3A_31] : memref<25600xf32, #tpu.memory_space<vmem>>, vector<25600xf32>
    tpu.vector_store %arg5[%swap3A_31], %reshape3A_30 {strides = array<i32>} : memref<25600xf32, #tpu.memory_space<vmem>>, vector<25600xf32>,
    return
  }
  func.func @transform_0(%arg0: i32) -> (i32, i32) {
    %c0_i32 = arith.constant 0 : i32
    %c0_i32_0 = arith.constant 0 : i32
    %c0_i32_1 = arith.constant 0 : i32
    return %c0_i32, %c0_i32_0 : i32, i32
  }
  func.func @transform_1(%arg0: i32) -> (i32, i32) {
    %c0_i32 = arith.constant 0 : i32
    %c0_i32_0 = arith.constant 0 : i32
    return %c0_i32, %arg0 : i32, i32
  }
  func.func @transform_2(%arg0: i32) -> i32 {
    %c0_i32 = arith.constant 0 : i32
    %c0_i32_0 = arith.constant 0 : i32
    return %c0_i32 : i32
  }
  func.func @transform_3(%arg0: i32) -> i32 {
    %c0_i32 = arith.constant 0 : i32
    return %arg0 : i32
  }
  func.func @transform_4(%arg0: i32) -> i32 {
    %c0_i32 = arith.constant 0 : i32
    return %arg0 : i32
  }
}

</mosaic_0001>

<sc_bundles>
// kernel: kernel.4.cloned.1.call-start
scs
__scs_entry_jumppad:
0x0: {  	(pc) =	sbr.rel $0x88, $3  }
0x1: {  	(tag) =	ssettag $0x0;
	lr =	simm.s32 $0x1  }
0x2: {  	[smem:$0x3F9D] =	sst lr;
	_ =	strace $0xD0000000  }
0x3: {  	_ = 	snop  }
0x4: {  	_ = 	snop  }
0x5: {  	_ = 	snop  }
0x6: {  	_ = 	snop  }
0x7: {  	_ = 	snop  }
__scs_overlays_trampoline_lowered:
0x8: {  	[smem:$0x3FAC] =	sst s0  }
0x9: {  	[smem:$0x3FAD] =	sst s1  }
0xa: {  	[smem:$0x3FAE] =	sst s2  }
0xb: {  	[smem:$0x3FAF] =	sst s3  }
0xc: {  	[smem:$0x3FB0] =	sst s4  }
0xd: {  	[smem:$0x3FB1] =	sst s5  }
0xe: {  	[smem:$0x3FB2] =	sst s6  }
0xf: {  	[smem:$0x3FB3] =	sst s7  }
0x10: {  	[smem:$0x3FB4] =	sst s8  }
0x11: {  	[smem:$0x3FB5] =	sst s9;
	s0 =	simm.s32 @!p0 $0x0  }
0x12: {  	s1 =	sld [smem:$0x3F9B];
	s0 =	simm.s32 @p0 $0x1  }
0x13: {  	[smem:$0x3FB6] =	sst s0;
	s0 =	simm.s32 @!p1 $0x0  }
0x14: {  	s2 =	sld [smem:$0x3F9A];
	s0 =	simm.s32 @p1 $0x1  }
0x15: {  	[smem:$0x3FB7] =	sst s0;
	s0 =	simm.s32 @!p2 $0x0  }
0x16: {  	s3 =	sld [smem:$0x3FDB];
	s0 =	simm.s32 @p2 $0x1  }
0x17: {  	s4 =	simm.s32 $0x1BF5;
	[smem:$0x3FB9] =	sst s0  }
0x18: {  	s0 =	sld [smem:$0x3F9C];
	_ =	swait.ge [sflag:s4], $0x0  }
0x19: {  	s7 =	sld [smem:$0x3F9D]  }
0x1a: {  	s8 =	sadd.s32 $0xFFFFE003, lr  }
0x1b: {  	s9 =	sadd.s32 $0xFFFFFEF7, lr;
	s5 =	simm.s32 $0xFFFFFFFF;
	p2 =	slt.u32 s8, $0xFFFFF086  }
0x1c: {  	p1 =	slt.u32 s9, $0xF7A;
	s5 =	simm.s32 @!p2 $0x0  }
0x1d: {  	s5 =	simm.s32 @p1 $0x1;
	p0 =	seq.s32 s7, s2  }
0x1e: {  	s7 =	smul.u32 @!p0 $0xF7A, s2;
	p2 =	seq.s32 @!p0 s5, $0x0  }
0x1f: {  	s9 =	smul.u32 $0xF7A, s1;
	s8 =	simm.s32 @!p0 $0x1BF5;
	p2 =	por !p2, p0  }
0x20: {  	[sflag:s8] =	ssyncset.s32 @!p0 $0xFFFFF086;
	s6 =	sadd.s32 @!p0 s3, s7;
	s7 =	simm.s32 @!p0 $0x108  }
0x21: {  	s3 =	sadd.s32 s3, s9;
	s6 =	sadd.s32 @!p0 $0x88, s6;
	s7 =	simm.s32 @p2 $0x1082  }
0x22: {  	[simem:s7], [sflag:s8] =	dma.local @!p0 [hbm:s6], $0xF7A  }
0x23: {  	s9 =	sor.u32 $0xD0000000, s2;
	s6 =	simm.s32 $0x108;
	_ =	swait.ge @!p0 [sflag:s8], $0x0  }
0x24: {  	s3 =	sadd.s32 $0x88, s3;
	s6 =	simm.s32 @!p1 $0x1082;
	[sflag:s4] =	ssyncset.s32 $0xFFFFF086  }
0x25: {  	[simem:s6], [sflag:s4] =	dma.local [hbm:s3], $0xF7A  }
0x26: {  	[smem:$0x3F9D] =	sst s1;
	(tag) =	ssettag s2;
	_ =	strace s9  }
0x27: {  	s1 =	sld [smem:$0x3FAD]  }
0x28: {  	s2 =	sld [smem:$0x3FAE]  }
0x29: {  	s4 =	sld [smem:$0x3FB0]  }
0x2a: {  	p0 =	seq.s32 s5, $0x0;
	s5 =	sld [smem:$0x3FB1]  }
0x2b: {  	s6 =	sld [smem:$0x3FB2]  }
0x2c: {  	s7 =	sld [smem:$0x3FB3]  }
0x2d: {  	s3 =	simm.s32 $0x108;
	s8 =	sld [smem:$0x3FB4]  }
0x2e: {  	s3 =	simm.s32 @!p0 $0x1082;
	s9 =	sld [smem:$0x3FB5]  }
0x2f: {  	lr =	sadd.s32 s0, s3;
	s0 =	sld [smem:$0x3FAC]  }
0x30: {  	s3 =	sld [smem:$0x3FAF]  }
0x31: {  	[smem:$0x3FB8] =	sst s10  }
0x32: {  	s10 =	sld [smem:$0x3FB6];
	_ =	sdelay $0x3  }
0x33: {  	p0 =	seq.s32 s10, $0x1;
	s10 =	sld [smem:$0x3FB8];
	_ =	sdelay $0x3  }
0x34: {  	[smem:$0x3FB8] =	sst s10  }
0x35: {  	s10 =	sld [smem:$0x3FB7];
	_ =	sdelay $0x3  }
0x36: {  	p1 =	seq.s32 s10, $0x1;
	s10 =	sld [smem:$0x3FB8];
	_ =	sdelay $0x3  }
0x37: {  	[smem:$0x3FB8] =	sst s10  }
0x38: {  	s10 =	sld [smem:$0x3FB9]  }
0x39: {  	_ = 	snop;
	(pc) =	sbr.ind lr, $3  }
0x3a: {  	_ = 	snop  }
0x3b: {  	_ = 	snop  }
0x3c: {  	p2 =	seq.s32 s10, $0x1;
	s10 =	sld [smem:$0x3FB8]  }
0x3d: {  	_ =	shalt  }
0x3e: {  	_ =	shalt  }
0x3f: {  	_ =	shalt  }
0x40: {  	_ =	shalt  }
0x41: {  	_ =	shalt  }
0x42: {  	_ =	shalt  }
0x43: {  	_ =	shalt  }
0x44: {  	_ =	shalt  }
0x45: {  	_ =	shalt  }
0x46: {  	_ =	shalt  }
0x47: {  	_ =	shalt  }
0x48: {  	_ =	shalt  }
0x49: {  	_ =	shalt  }
0x4a: {  	_ =	shalt  }
0x4b: {  	_ =	shalt  }
0x4c: {  	_ =	shalt  }
0x4d: {  	_ =	shalt  }
0x4e: {  	_ =	shalt  }
0x4f: {  	_ =	shalt  }
0x50: {  	_ =	shalt  }
0x51: {  	_ =	shalt  }
0x52: {  	_ =	shalt  }
0x53: {  	_ =	shalt  }
0x54: {  	_ =	shalt  }
0x55: {  	_ =	shalt  }
0x56: {  	_ =	shalt  }
0x57: {  	_ =	shalt  }
0x58: {  	_ =	shalt  }
0x59: {  	_ =	shalt  }
0x5a: {  	_ =	shalt  }
0x5b: {  	_ =	shalt  }
0x5c: {  	_ =	shalt  }
0x5d: {  	_ =	shalt  }
0x5e: {  	_ =	shalt  }
0x5f: {  	_ =	shalt  }
0x60: {  	_ =	shalt  }
0x61: {  	_ =	shalt  }
0x62: {  	_ =	shalt  }
0x63: {  	_ =	shalt  }
0x64: {  	_ =	shalt  }
0x65: {  	_ =	shalt  }
0x66: {  	_ =	shalt  }
0x67: {  	_ =	shalt  }
0x68: {  	_ =	shalt  }
0x69: {  	_ =	shalt  }
0x6a: {  	_ =	shalt  }
0x6b: {  	_ =	shalt  }
0x6c: {  	_ =	shalt  }
0x6d: {  	_ =	shalt  }
0x6e: {  	_ =	shalt  }
0x6f: {  	_ =	shalt  }
0x70: {  	_ =	shalt  }
0x71: {  	_ =	shalt  }
0x72: {  	_ =	shalt  }
0x73: {  	_ =	shalt  }
0x74: {  	_ =	shalt  }
0x75: {  	_ =	shalt  }
0x76: {  	_ =	shalt  }
0x77: {  	_ =	shalt  }
0x78: {  	_ =	shalt  }
0x79: {  	_ =	shalt  }
0x7a: {  	_ =	shalt  }
0x7b: {  	_ =	shalt  }
0x7c: {  	_ =	shalt  }
0x7d: {  	_ =	shalt  }
0x7e: {  	_ =	shalt  }
0x7f: {  	_ =	shalt  }
0x80: {  	_ =	shalt  }
0x81: {  	_ =	shalt  }
0x82: {  	_ =	shalt  }
0x83: {  	_ =	shalt  }
0x84: {  	_ =	shalt  }
0x85: {  	_ =	shalt  }
0x86: {  	_ =	shalt  }
0x87: {  	_ =	shalt  }
.Lfunc_end0:
.L_simem_size_0:
called_computation_lowered:
.L_overlay_start_0:
0x88: {  	s2 =	sld [smem:$0x3FD9]  }
0x89: {  	s3 =	sld [smem:$0x3FFE];
	_ =	sdelay $0x1  }
0x8a: {  	s1 =	srdreg.scid  }
0x8b: {  	s0 =	sand.u32 $0x1, s1  }
0x8c: {  	s17 =	sshll.u32 s0, $0xA;
	s2 =	sadd.s32 s3, s2  }
0x8d: {  	s2 =	sadd.s32 s2, s17  }
0x8e: {  	[smem:$0x3FC4] =	sst s2  }
0x8f: {  	_ = 	snop  }
0x90: {  	s2 =	sld [smem:$0x3FC9];
	(tm) =	ssettm $0x1  }
0x91: {  	s18 =	sld [smem:$0x3FFB];
	_ =	sdelay $0x3  }
0x92: {  	_ =	strace s18  }
0x93: {  	s3 =	sld [smem:$0x3FFC];
	_ =	sdelay $0x3  }
0x94: {  	_ =	strace s3  }
0x95: {  	s3 =	sld [smem:$0x3FFD];
	_ =	sdelay $0x3  }
0x96: {  	_ =	strace s3  }
0x97: {  	_ =	strace $0x8FFFFFFF  }
0x98: {  	s19 =	sld [smem:$0x3FDB];
	_ =	sdelay $0x1  }
0x99: {  	s4 =	simm.s32 $_scs_section_size  }
0x9a: {  	s5 =	simm.s32 $_size__tile_overlayer_lowered;
	s6 =	simm.s32 $_tile_overlayer_lowered  }
0x9b: {  	s22 =	simm.s32 $0x1BFF;
	s21 =	sshll.u32 s6, $0x1;
	s3 =	sadd.s32 s4, s19  }
0x9c: {  	s7 =	simm.s32 $0x0;
	s20 =	sshll.u32 s5, $0x1;
	s5 =	sadd.s32 s21, s3  }
0x9d: {  	[timem:s7], [sflag:s22] =	dma.local [hbm:s5], s20  }
0x9e: {  	_ =	swait.ge [sflag:s22], s20  }
0x9f: {  	s4 =	ssub.s32 $0x0, s20;
	[sflag:s22] =	ssyncset.done $0x0  }
0xa0: {  	[sflag:s22] =	ssyncadd.s32 s4;
	_ =	sdelay $0x1  }
0xa1: {  	s23 =	simm.s32 $0x1B8B  }
0xa2: {  	_ =	swait.ge [sflag:s23], $0x1  }
0xa3: {  	[sflag:s23] =	ssyncset.done $0x0  }
0xa4: {  	s25 =	simm.s32 $0x1B8E;
	s24 =	sld [smem:$0x3FFE];
	[sflag:s23] =	ssyncadd.s32 $0xFFFFFFFF  }
0xa5: {  	s26 =	simm.s32 $execute0_lowered;
	[smem:$0x3FD2] =	sst s25  }
0xa6: {  	s5 =	sshll.u32 s26, $0x1;
	_ =	strace $0x80000046;
	[dreg:$0x1] =	wrdreg $0xFFFFFFFF  }
0xa7: {  	s28 =	simm.s32 $_size_execute0_lowered;
	s3 =	sadd.s32 s3, s5;
	[dreg:$0x0] =	wrdreg $0x0  }
0xa8: {  	s5 =	sshll.u32 s28, $0x1;
	[dreg:$0x2] =	wrdreg s3  }
0xa9: {  	[dreg:$0x3] =	wrdreg s5  }
0xaa: {  	[dreg:$0x4] =	wrdreg $0xC0  }
0xab: {  	_ =	task [dreg:s7], $0x5FFFF  }
0xac: {  	[dreg:$0x1] =	wrdreg $0xFFFFFFFF  }
0xad: {  	[dreg:$0x0] =	wrdreg $0x60  }
0xae: {  	[dreg:$0x2] =	wrdreg s24  }
0xaf: {  	[dreg:$0x3] =	wrdreg s2  }
0xb0: {  	[dreg:$0x4] =	wrdreg $0x190000  }
0xb1: {  	[dreg:$0x5] =	wrdreg $0x9  }
0xb2: {  	_ =	task.clear_ibuf [dreg:s7], $0x6FFFF;
	_ =	strace $0x90000046  }
0xb3: {  	s29 =	simm.s32 $0x9;
	_ =	strace $0x80000048  }
0xb4: {  	_ =	swait.ge [sflag:s29], $0x1  }
0xb5: {  	[sflag:s29] =	ssyncadd.s32 $0xFFFFFFFF  }
0xb6: {  	_ =	strace $0x90000048  }
0xb7: {  	_ =	sfence  }
0xb8: {  	s30 =	sld [smem:$0x0];
	_ =	sdelay $0x2  }
0xb9: {  	s31 =	sshll.u32 s1, $0xD;
	s1 =	sshrl.u32 s1, $0x2  }
0xba: {  	s3 =	sand.u32 $0x4000, s31;
	s1 =	sadd.s32 s1, s30  }
0xbb: {  	s0 =	sor.u32 s3, s0;
	s1 =	sshll.u32 s1, $0x11  }
0xbc: {  	s0 =	sor.u32 s1, s0  }
0xbd: {  	s0 =	sadd.s32 $0x8F2B, s0  }
0xbe: {  	[sflag:s0] =	ssyncadd.remote.s32 $0x1  }
0xbf: {  	_ =	sfence.sel $0xFFFF  }
0xc0: {  	[dreg:$0x0] =	wrdreg $0xFFFFFFFF;
	(pc) =	sbr.abs _section_cstart, $3  }
0xc1: {  	[dreg:$0x1] =	wrdreg $0xFFFFFFFF  }
0xc2: {  	_ =	task.clear_ibuf [dreg:s7], $0x2FFFF;
	_ =	strace $0x9FFFFFFF  }
0xc3: {  	(tm) =	ssettm $0x7FFFFFFF  }
tec
execute0_lowered:
.L_overlay_start_1:
0x0: {  	(tag) =	ssettag $0x1  }
0x1: {  	s11 =	rddreg [dreg:$0x0]  }
0x2: {  	s5 =	rddreg [dreg:$0x1]  }
0x3: {  	s2 =	rddreg [dreg:$0x2];
	s3 =	srdreg.scid  }
0x4: {  	s0 =	rddreg [dreg:$0x3];
	s1 =	stileid.u32  }
0x5: {  	s15 =	simm.s32 $0x4000;
	s16 =	simm.s32 $0x1A900;
	s17 =	simm.s32 $0x3  }
0x6: {  	s18 =	simm.s32 $0x1;
	s19 =	simm.s32 $0x1D100;
	s20 =	simm.s32 $0x2  }
0x7: {  	s21 =	simm.s32 $0x1F900;
	s22 =	simm.s32 $0x0;
	s6 =	sand.u32 $0x1, s3  }
0x8: {  	s3 =	simm.s32 $0x0;
	s7 =	sshll.u32 s1, $0x8;
	s4 =	sshll.u32 s6, $0xC  }
0x9: {  	[smem:$0x7FF] =	sst s3;
	s8 =	ssub.s32 $0x2, s6;
	s5 =	sadd.s32 s5, s7  }
0xa: {  	p0 =	seq.s32 s6, $0x1;
	s4 =	sor.u32 s7, s4;
	_ =	strace $0x80000047  }
0xb: {  	s9 =	sshrl.u32 s8, $0x1;
	s7 =	sadd.s32 $0x5000, s5;
	s15 =	simm.s32 @!p0 $0xE00  }
0xc: {  	s10 =	sadd.s32 $0x14000, s5;
	s4 =	sshrl.u32 s4, $0x3;
	s13 =	ssub.s32 s8, s9  }
0xd: {  	s8 =	sadd.s32 $0xA000, s5;
	s12 =	sadd.s32 s4, s11;
	s4 =	smul.u32 $0x1900, s1  }
0xe: {  	s9 =	sadd.s32 $0xF000, s5;
	s15 =	sadd.s32 s15, s11;
	s11 =	sadd.s32 $0x7200, s12  }
0xf: {  	s12 =	smax.u32 s13, $0x1;
	s14 =	sshrl.u32 s4, $0x3;
	s6 =	sadd.s32 s4, s2  }
0x10: {  	s13 =	sadd.s32 s15, s14;
	s14 =	simm.s32 $0x800;
	s15 =	simm.s32 $0x8000  }
.LBB2_1:
0x11: {  	[tilespmem:s16], [sflag:$0x1] =	stream.strided.gather [hbm4b:s5+s14], $0x2800, s15, s14, $0x38;
	[tilespmem:$0x1FA00] =	vst v63  }
0x12: {  	_ = 	snop  }
0x13: {  	[tilespmem:s4], [sflag:$0x3] =	stream.linear.gather [hbm4b:s13+s3], $0x1900, $0x38;
	[tilespmem:$0x1FA00] =	vst v63  }
0x14: {  	_ =	swait.ge [sflag:s17], $0x1900  }
0x15: {  	[sflag:s17] =	ssyncset.done $0x0  }
0x16: {  	[sflag:s17] =	ssyncadd.s32 $0xFFFFE700  }
0x17: {  	[spmem:s6] =	stream.linear.scatter [tilespmem:s4], [sflag:$0x3], $0x1900, $0x38;
	[tilespmem:$0x1FA00] =	vst v63  }
0x18: {  	_ =	swait.ge [sflag:s17], $0x1900  }
0x19: {  	[sflag:s17] =	ssyncset.done $0x0  }
0x1a: {  	[sflag:s17] =	ssyncadd.s32 $0xFFFFE700  }
0x1b: {  	[bflag:$0x0] =	sbarrier.arrive $0xFFFF  }
0x1c: {  	[tilespmem:s3], [sflag:$0x3] =	stream.linear.gather [spmem:s2], $0x19000, $0x38;
	[tilespmem:$0x1FA00] =	vst v63  }
0x1d: {  	_ =	swait.ge [sflag:s17], $0x19000  }
0x1e: {  	[sflag:s17] =	ssyncset.done $0x0  }
0x1f: {  	[sflag:s17] =	ssyncadd.s32 $0xFFFE7000  }
0x20: {  	_ =	swait.ge [sflag:s18], $0x2800  }
0x21: {  	s23 =	sand.u32 $0x3800, s3;
	s24 =	sand.u32 $0x300, s3;
	[sflag:s18] =	ssyncset.done $0x0  }
0x22: {  	s23 =	sor.u32 s24, s23;
	[sflag:s18] =	ssyncadd.s32 $0xFFFFD800  }
0x23: {  	[tilespmem:s19], [sflag:$0x2] =	stream.strided.gather [hbm4b:s7+s14], $0x2800, s15, s14, $0x38;
	[tilespmem:$0x1FA00] =	vst v63  }
0x24: {  	s24 =	sadd.s32 $0x1A900, s23;
	v0 =	vld [tilespmem:s23+$0x1A900]  }
0x25: {  	v1 =	vld [tilespmem:s24+$0x80]  }
0x26: {  	v2 =	vld [tilespmem:s24+$0x90]  }
0x27: {  	v3 =	vld [tilespmem:s24+$0xA0]  }
0x28: {  	v4 =	vld [tilespmem:s24+$0xB0]  }
0x29: {  	v5 =	vld [tilespmem:s24+$0xC0]  }
0x2a: {  	v6 =	vld [tilespmem:s24+$0xD0]  }
0x2b: {  	v7 =	vld [tilespmem:s24+$0xE0]  }
0x2c: {  	v8 =	vld [tilespmem:s24+$0xF0]  }
0x2d: {  	v9 =	vld [tilespmem:s24+$0x480]  }
0x2e: {  	v10 =	vld [tilespmem:s24+$0x490]  }
0x2f: {  	v11 =	vld [tilespmem:s24+$0x4A0]  }
0x30: {  	v12 =	vld [tilespmem:s24+$0x4B0]  }
0x31: {  	v13 =	vld [tilespmem:s24+$0x4C0]  }
0x32: {  	v14 =	vld [tilespmem:s24+$0x4D0]  }
0x33: {  	v19 =	vld [tilespmem:s24+$0x4E0]  }
0x34: {  	v15 =	vld [tilespmem:s24+$0x4F0]  }
0x35: {  	v16 =	vld [tilespmem:s24+$0x10]  }
0x36: {  	v18 =	vld [tilespmem:s24+$0x20]  }
0x37: {  	v22 =	vld [tilespmem:s24+$0x30]  }
0x38: {  	v23 =	vld [tilespmem:s24+$0x40]  }
0x39: {  	v24 =	vld [tilespmem:s24+$0x50]  }
0x3a: {  	v25 =	vld [tilespmem:s24+$0x60]  }
0x3b: {  	v28 =	vld [tilespmem:s24+$0x70]  }
0x3c: {  	v29 =	vld [tilespmem:s24+$0x400]  }
0x3d: {  	v31 =	vld [tilespmem:s24+$0x410]  }
0x3e: {  	v32 =	vld [tilespmem:s24+$0x420]  }
0x3f: {  	v33 =	vld [tilespmem:s24+$0x430]  }
0x40: {  	v34 =	vld [tilespmem:s24+$0x440]  }
0x41: {  	v35 =	vld [tilespmem:s24+$0x450]  }
0x42: {  	v36 =	vld [tilespmem:s24+$0x460]  }
0x43: {  	v37 =	vld [tilespmem:s24+$0x470]  }
0x44: {  	v0 =	vld.idx.msk [tilespmem:v0+s3+$0x0], $0xffff  }
0x45: {  	v1 =	vld.idx.msk [tilespmem:v1+s3+$0x0], $0xffff  }
0x46: {  	v2 =	vld.idx.msk [tilespmem:v2+s3+$0x0], $0xffff  }
0x47: {  	v3 =	vld.idx.msk [tilespmem:v3+s3+$0x0], $0xffff  }
0x48: {  	v4 =	vld.idx.msk [tilespmem:v4+s3+$0x0], $0xffff  }
0x49: {  	v5 =	vld.idx.msk [tilespmem:v5+s3+$0x0], $0xffff  }
0x4a: {  	v6 =	vld.idx.msk [tilespmem:v6+s3+$0x0], $0xffff  }
0x4b: {  	v7 =	vld.idx.msk [tilespmem:v7+s3+$0x0], $0xffff  }
0x4c: {  	v38 =	vld.idx.msk [tilespmem:v8+s3+$0x0], $0xffff  }
0x4d: {  	v21 =	vld.idx.msk [tilespmem:v9+s3+$0x0], $0xffff  }
0x4e: {  	v27 =	vld.idx.msk [tilespmem:v10+s3+$0x0], $0xffff  }
0x4f: {  	v20 =	vld.idx.msk [tilespmem:v11+s3+$0x0], $0xffff  }
0x50: {  	v26 =	vld.idx.msk [tilespmem:v12+s3+$0x0], $0xffff  }
0x51: {  	v17 =	vld.idx.msk [tilespmem:v13+s3+$0x0], $0xffff  }
0x52: {  	v9 =	vld.idx.msk [tilespmem:v16+s3+$0x0], $0xffff  }
0x53: {  	v10 =	vld.idx.msk [tilespmem:v18+s3+$0x0], $0xffff  }
0x54: {  	v11 =	vld.idx.msk [tilespmem:v22+s3+$0x0], $0xffff  }
0x55: {  	v12 =	vld.idx.msk [tilespmem:v23+s3+$0x0], $0xffff  }
0x56: {  	v13 =	vld.idx.msk [tilespmem:v24+s3+$0x0], $0xffff  }
0x57: {  	v16 =	vld.idx.msk [tilespmem:v25+s3+$0x0], $0xffff  }
0x58: {  	v8 =	vimm.f32 $0.0e+00;
	v22 =	vld.idx.msk [tilespmem:v28+s3+$0x0], $0xffff  }
0x59: {  	v18 =	vld.idx.msk [tilespmem:v14+s3+$0x0], $0xffff;
	v0 =	vadd.f32 v0, v8;
	v9 =	vadd.f32 v9, v8  }
0x5a: {  	v30 =	vld.idx.msk [tilespmem:v29+s3+$0x0], $0xffff;
	v10 =	vadd.f32 v10, v8;
	v11 =	vadd.f32 v11, v8  }
0x5b: {  	v40 =	vld.idx.msk [tilespmem:v31+s3+$0x0], $0xffff;
	v0 =	vadd.f32 v1, v0;
	v1 =	vadd.f32 v2, v9  }
0x5c: {  	v39 =	vld.idx.msk [tilespmem:v32+s3+$0x0], $0xffff;
	v2 =	vadd.f32 v3, v10;
	v3 =	vadd.f32 v4, v11  }
0x5d: {  	v41 =	vld.idx.msk [tilespmem:v33+s3+$0x0], $0xffff;
	v14 =	vimm.f32 $0.0e+00;
	v4 =	vadd.f32 v12, v8;
	v9 =	vadd.f32 v13, v8  }
0x5e: {  	v29 =	vld.idx.msk [tilespmem:v34+s3+$0x0], $0xffff;
	v10 =	vadd.f32 v16, v8;
	v11 =	vadd.f32 v22, v8;
	v12 =	vimm.f32 $0.0e+00  }
0x5f: {  	v31 =	vld.idx.msk [tilespmem:v35+s3+$0x0], $0xffff;
	v13 =	vimm.f32 $0.0e+00;
	v4 =	vadd.f32 v5, v4;
	v5 =	vadd.f32 v6, v9  }
0x60: {  	v42 =	vld.idx.msk [tilespmem:v37+s3+$0x0], $0xffff;
	v16 =	vimm.f32 $0.0e+00;
	v6 =	vadd.f32 v7, v10;
	v7 =	vadd.f32 v38, v11  }
0x61: {  	s25 =	simm.s32 $0x200;
	s23 =	simm.s32 $0x0;
	s24 =	simm.s32 $0x100;
	v38 =	vld.idx.msk [tilespmem:v36+s3+$0x0], $0xffff;
	v9 =	vimm.f32 $0.0e+00;
	v10 =	vimm.f32 $0.0e+00;
	v11 =	vimm.f32 $0.0e+00  }
.LBB2_2:
0x62: {  	s26 =	sand.u32 $0x3800, s25;
	s28 =	sand.u32 $0x300, s24;
	v8 =	vadd.f32 v30, v8;
	v14 =	vadd.f32 v40, v14;
	v19 =	vld.idx.msk [tilespmem:v19+s3+$0x0], $0xffff  }
0x63: {  	v12 =	vadd.f32 v39, v12;
	v13 =	vadd.f32 v41, v13;
	s28 =	sor.u32 s28, s26;
	v15 =	vld.idx.msk [tilespmem:v15+s3+$0x0], $0xffff  }
0x64: {  	s26 =	sadd.s32 $0x1A900, s28;
	v22 =	vld [tilespmem:s28+$0x1A900];
	v8 =	vadd.f32 v21, v8;
	v14 =	vadd.f32 v27, v14  }
0x65: {  	v12 =	vadd.f32 v20, v12;
	v13 =	vadd.f32 v26, v13;
	v21 =	vld [tilespmem:s26+$0x80]  }
0x66: {  	v9 =	vadd.f32 v29, v9;
	v16 =	vadd.f32 v31, v16;
	v20 =	vld [tilespmem:s26+$0x90]  }
0x67: {  	v10 =	vadd.f32 v38, v10;
	v11 =	vadd.f32 v42, v11;
	v23 =	vld [tilespmem:s26+$0xA0]  }
0x68: {  	v9 =	vadd.f32 v17, v9;
	v16 =	vadd.f32 v18, v16;
	v24 =	vld [tilespmem:s26+$0xB0]  }
0x69: {  	v10 =	vadd.f32 v19, v10;
	v11 =	vadd.f32 v15, v11;
	v17 =	vld [tilespmem:s26+$0xC0]  }
0x6a: {  	v18 =	vld [tilespmem:s26+$0xD0]  }
0x6b: {  	v25 =	vld [tilespmem:s26+$0xE0]  }
0x6c: {  	v26 =	vld [tilespmem:s26+$0xF0]  }
0x6d: {  	v27 =	vld [tilespmem:s26+$0x480]  }
0x6e: {  	v28 =	vld [tilespmem:s26+$0x490]  }
0x6f: {  	v29 =	vld [tilespmem:s26+$0x4A0]  }
0x70: {  	v30 =	vld [tilespmem:s26+$0x4B0]  }
0x71: {  	v31 =	vld [tilespmem:s26+$0x4C0]  }
0x72: {  	v32 =	vld [tilespmem:s26+$0x4D0]  }
0x73: {  	v19 =	vld [tilespmem:s26+$0x4E0]  }
0x74: {  	v15 =	vld [tilespmem:s26+$0x4F0]  }
0x75: {  	v33 =	vld [tilespmem:s26+$0x10]  }
0x76: {  	v34 =	vld [tilespmem:s26+$0x20]  }
0x77: {  	v35 =	vld [tilespmem:s26+$0x30]  }
0x78: {  	v36 =	vld [tilespmem:s26+$0x40]  }
0x79: {  	v37 =	vld [tilespmem:s26+$0x50]  }
0x7a: {  	v38 =	vld [tilespmem:s26+$0x60]  }
0x7b: {  	v39 =	vld [tilespmem:s26+$0x70]  }
0x7c: {  	v40 =	vld [tilespmem:s26+$0x400]  }
0x7d: {  	v41 =	vld [tilespmem:s26+$0x410]  }
0x7e: {  	v42 =	vld [tilespmem:s26+$0x420]  }
0x7f: {  	v43 =	vld [tilespmem:s26+$0x430]  }
0x80: {  	v44 =	vld [tilespmem:s26+$0x440]  }
0x81: {  	v45 =	vld [tilespmem:s26+$0x450]  }
0x82: {  	v46 =	vld [tilespmem:s26+$0x460]  }
0x83: {  	v47 =	vld [tilespmem:s26+$0x470]  }
0x84: {  	v22 =	vld.idx.msk [tilespmem:v22+s3+$0x0], $0xffff  }
0x85: {  	v48 =	vld.idx.msk [tilespmem:v21+s3+$0x0], $0xffff  }
0x86: {  	v49 =	vld.idx.msk [tilespmem:v20+s3+$0x0], $0xffff  }
0x87: {  	v23 =	vld.idx.msk [tilespmem:v23+s3+$0x0], $0xffff  }
0x88: {  	v24 =	vld.idx.msk [tilespmem:v24+s3+$0x0], $0xffff  }
0x89: {  	v50 =	vld.idx.msk [tilespmem:v17+s3+$0x0], $0xffff  }
0x8a: {  	v51 =	vld.idx.msk [tilespmem:v18+s3+$0x0], $0xffff  }
0x8b: {  	v25 =	vld.idx.msk [tilespmem:v25+s3+$0x0], $0xffff  }
0x8c: {  	v52 =	vld.idx.msk [tilespmem:v26+s3+$0x0], $0xffff  }
0x8d: {  	v21 =	vld.idx.msk [tilespmem:v27+s3+$0x0], $0xffff  }
0x8e: {  	v27 =	vld.idx.msk [tilespmem:v28+s3+$0x0], $0xffff  }
0x8f: {  	v20 =	vld.idx.msk [tilespmem:v29+s3+$0x0], $0xffff  }
0x90: {  	v26 =	vld.idx.msk [tilespmem:v30+s3+$0x0], $0xffff  }
0x91: {  	v17 =	vld.idx.msk [tilespmem:v31+s3+$0x0], $0xffff  }
0x92: {  	v18 =	vld.idx.msk [tilespmem:v32+s3+$0x0], $0xffff  }
0x93: {  	v28 =	vld.idx.msk [tilespmem:v33+s3+$0x0], $0xffff  }
0x94: {  	v29 =	vld.idx.msk [tilespmem:v34+s3+$0x0], $0xffff  }
0x95: {  	v31 =	vld.idx.msk [tilespmem:v35+s3+$0x0], $0xffff  }
0x96: {  	s23 =	sadd.s32 $0x2, s23;
	v32 =	vld.idx.msk [tilespmem:v36+s3+$0x0], $0xffff  }
0x97: {  	p0 =	slt.u32 s23, $0x26;
	v33 =	vld.idx.msk [tilespmem:v37+s3+$0x0], $0xffff  }
0x98: {  	v34 =	vld.idx.msk [tilespmem:v38+s3+$0x0], $0xffff  }
0x99: {  	v35 =	vld.idx.msk [tilespmem:v39+s3+$0x0], $0xffff  }
0x9a: {  	v0 =	vadd.f32 v22, v0;
	v1 =	vadd.f32 v28, v1;
	v30 =	vld.idx.msk [tilespmem:v40+s3+$0x0], $0xffff  }
0x9b: {  	v2 =	vadd.f32 v29, v2;
	v3 =	vadd.f32 v31, v3;
	v40 =	vld.idx.msk [tilespmem:v41+s3+$0x0], $0xffff  }
0x9c: {  	v0 =	vadd.f32 v48, v0;
	v1 =	vadd.f32 v49, v1;
	v39 =	vld.idx.msk [tilespmem:v42+s3+$0x0], $0xffff  }
.Ltmp0:
0x9d: {  	v2 =	vadd.f32 v23, v2;
	v3 =	vadd.f32 v24, v3;
	v41 =	vld.idx.msk [tilespmem:v43+s3+$0x0], $0xffff;
	(pc) =	sbr.rel @p0 .LBB2_2-.Ltmp0, $4  }
0x9e: {  	v4 =	vadd.f32 v32, v4;
	v5 =	vadd.f32 v33, v5;
	v29 =	vld.idx.msk [tilespmem:v44+s3+$0x0], $0xffff  }
0x9f: {  	v6 =	vadd.f32 v34, v6;
	v7 =	vadd.f32 v35, v7;
	v31 =	vld.idx.msk [tilespmem:v45+s3+$0x0], $0xffff  }
0xa0: {  	v4 =	vadd.f32 v50, v4;
	v5 =	vadd.f32 v51, v5;
	v38 =	vld.idx.msk [tilespmem:v46+s3+$0x0], $0xffff  }
0xa1: {  	s24 =	sadd.s32 $0x100, s24;
	s25 =	sadd.s32 $0x200, s25;
	v6 =	vadd.f32 v25, v6;
	v7 =	vadd.f32 v52, v7;
	v42 =	vld.idx.msk [tilespmem:v47+s3+$0x0], $0xffff  }
0xa2: {  	_ =	sdelay $0x3  }
0xa3: {  	v19 =	vld.idx.msk [tilespmem:v19+s3+$0x0], $0xffff;
	_ =	sdelay $0x4  }
0xa4: {  	[tilespmem:$0x1FF90] =	vst v19  }
0xa5: {  	v15 =	vld.idx.msk [tilespmem:v15+s3+$0x0], $0xffff;
	_ =	sdelay $0x4  }
0xa6: {  	s23 =	simm.s32 $0x0;
	[tilespmem:$0x1FFA0] =	vst v15  }
0xa7: {  	s24 =	sand.u32 $0x3800, s23;
	s23 =	sand.u32 $0x300, s23;
	_ =	swait.ge [sflag:s20], $0x2800  }
0xa8: {  	s25 =	sadd.s32 $0x1D100, s24;
	s26 =	sor.u32 $0x80, s23;
	[sflag:s20] =	ssyncset.done $0x0  }
0xa9: {  	s28 =	sadd.s32 s26, s25;
	[sflag:s20] =	ssyncadd.s32 $0xFFFFD800  }
0xaa: {  	[tilespmem:s16], [sflag:$0x1] =	stream.strided.gather [hbm4b:s8+s14], $0x2800, s15, s14, $0x38;
	[tilespmem:$0x1FA00] =	vst v63  }
0xab: {  	v15 =	vld [tilespmem:s28+$0x0]  }
0xac: {  	v23 =	vld [tilespmem:s28+$0x10]  }
0xad: {  	v24 =	vld [tilespmem:s28+$0x20]  }
0xae: {  	v32 =	vld [tilespmem:s28+$0x30]  }
0xaf: {  	v33 =	vld [tilespmem:s28+$0x40]  }
0xb0: {  	v34 =	vld [tilespmem:s28+$0x50]  }
0xb1: {  	s24 =	sadd.s32 $0x1D500, s24;
	v35 =	vld [tilespmem:s28+$0x60]  }
0xb2: {  	s26 =	sadd.s32 s26, s24;
	v37 =	vld [tilespmem:s28+$0x70]  }
0xb3: {  	v44 =	vld [tilespmem:s26+$0x0]  }
0xb4: {  	v45 =	vld [tilespmem:s26+$0x10]  }
0xb5: {  	v46 =	vld [tilespmem:s26+$0x20]  }
0xb6: {  	v47 =	vld [tilespmem:s26+$0x30]  }
0xb7: {  	v48 =	vld [tilespmem:s26+$0x40]  }
0xb8: {  	v49 =	vld [tilespmem:s26+$0x50]  }
0xb9: {  	v25 =	vld [tilespmem:s26+$0x60]  }
0xba: {  	s25 =	sadd.s32 s23, s25;
	v22 =	vld [tilespmem:s26+$0x70]  }
0xbb: {  	v50 =	vld [tilespmem:s25+$0x0]  }
0xbc: {  	v51 =	vld [tilespmem:s25+$0x10]  }
0xbd: {  	v52 =	vld [tilespmem:s25+$0x20]  }
0xbe: {  	v53 =	vld [tilespmem:s25+$0x30]  }
0xbf: {  	v54 =	vld [tilespmem:s25+$0x40]  }
0xc0: {  	v55 =	vld [tilespmem:s25+$0x50]  }
0xc1: {  	s23 =	sadd.s32 s23, s24;
	v56 =	vld [tilespmem:s25+$0x60]  }
0xc2: {  	v19 =	vld [tilespmem:s23+$0x40]  }
0xc3: {  	v59 =	vld [tilespmem:s25+$0x70]  }
0xc4: {  	v60 =	vld [tilespmem:s23+$0x0]  }
0xc5: {  	v61 =	vld [tilespmem:s23+$0x10]  }
0xc6: {  	v62 =	vld [tilespmem:s23+$0x20]  }
0xc7: {  	v63 =	vld [tilespmem:s23+$0x30];
	[tilespmem:$0x1FFB0] =	vst v19  }
0xc8: {  	v19 =	vld [tilespmem:s23+$0x50];
	_ =	sdelay $0x4  }
0xc9: {  	[tilespmem:$0x1FFC0] =	vst v19  }
0xca: {  	v19 =	vld [tilespmem:s23+$0x60];
	_ =	sdelay $0x4  }
0xcb: {  	[tilespmem:$0x1FFD0] =	vst v19  }
0xcc: {  	v19 =	vld.idx.msk [tilespmem:v15+s3+$0x0], $0xffff  }
0xcd: {  	v15 =	vld.idx.msk [tilespmem:v33+s3+$0x0], $0xffff;
	_ =	sdelay $0x1  }
0xce: {  	v28 =	vld [tilespmem:s23+$0x70]  }
0xcf: {  	v43 =	vld.idx.msk [tilespmem:v23+s3+$0x0], $0xffff  }
0xd0: {  	v57 =	vld.idx.msk [tilespmem:v24+s3+$0x0], $0xffff  }
0xd1: {  	v58 =	vld.idx.msk [tilespmem:v32+s3+$0x0], $0xffff;
	[tilespmem:$0x1FFE0] =	vst v15  }
0xd2: {  	v15 =	vld.idx.msk [tilespmem:v34+s3+$0x0], $0xffff;
	_ =	sdelay $0x2  }
0xd3: {  	v8 =	vadd.f32 v30, v8;
	_ =	sdelay $0x1  }
0xd4: {  	[tilespmem:$0x1FFF0] =	vst v15;
	v15 =	vadd.f32 v40, v14;
	v14 =	vadd.f32 v21, v8  }
0xd5: {  	v8 =	vadd.f32 v29, v9;
	v9 =	vadd.f32 v31, v16;
	v16 =	vld [tilespmem:$0x1FF90];
	_ =	sdelay $0x2  }
0xd6: {  	v10 =	vadd.f32 v38, v10;
	v30 =	vld.idx.msk [tilespmem:v50+s3+$0x0], $0xffff;
	_ =	sdelay $0x1  }
0xd7: {  	v10 =	vadd.f32 v16, v10;
	v16 =	vld [tilespmem:$0x1FFA0];
	_ =	sdelay $0x2  }
0xd8: {  	v11 =	vadd.f32 v42, v11;
	v0 =	vadd.f32 v30, v0;
	_ =	sdelay $0x1  }
0xd9: {  	v11 =	vadd.f32 v16, v11;
	v16 =	vadd.f32 v19, v0;
	v0 =	vld [tilespmem:$0x1FFB0]  }
0xda: {  	v21 =	vld.idx.msk [tilespmem:v52+s3+$0x0], $0xffff  }
0xdb: {  	v36 =	vld.idx.msk [tilespmem:v35+s3+$0x0], $0xffff  }
0xdc: {  	v37 =	vld.idx.msk [tilespmem:v37+s3+$0x0], $0xffff  }
0xdd: {  	v29 =	vld.idx.msk [tilespmem:v56+s3+$0x0], $0xffff  }
0xde: {  	v12 =	vadd.f32 v39, v12;
	v33 =	vld.idx.msk [tilespmem:v44+s3+$0x0], $0xffff  }
0xdf: {  	v35 =	vld.idx.msk [tilespmem:v45+s3+$0x0], $0xffff;
	v2 =	vadd.f32 v21, v2  }
0xe0: {  	v12 =	vadd.f32 v20, v12;
	v20 =	vld.idx.msk [tilespmem:v53+s3+$0x0], $0xffff  }
0xe1: {  	v9 =	vadd.f32 v18, v9;
	v18 =	vadd.f32 v57, v2;
	v2 =	vld.idx.msk [tilespmem:v0+s3+$0x0], $0xffff  }
0xe2: {  	v0 =	vadd.f32 v29, v6;
	v6 =	vld [tilespmem:$0x1FFC0]  }
0xe3: {  	v51 =	vld.idx.msk [tilespmem:v51+s3+$0x0], $0xffff  }
0xe4: {  	v32 =	vld.idx.msk [tilespmem:v46+s3+$0x0], $0xffff  }
0xe5: {  	v13 =	vadd.f32 v41, v13;
	v31 =	vld.idx.msk [tilespmem:v59+s3+$0x0], $0xffff  }
0xe6: {  	v34 =	vld.idx.msk [tilespmem:v47+s3+$0x0], $0xffff  }
0xe7: {  	v13 =	vadd.f32 v26, v13;
	v26 =	vld.idx.msk [tilespmem:v54+s3+$0x0], $0xffff;
	v20 =	vadd.f32 v20, v3  }
0xe8: {  	v23 =	vld.idx.msk [tilespmem:v48+s3+$0x0], $0xffff;
	v1 =	vadd.f32 v51, v1  }
0xe9: {  	v8 =	vadd.f32 v17, v8;
	v19 =	vadd.f32 v58, v20;
	v20 =	vld [tilespmem:$0x1FFE0]  }
0xea: {  	v17 =	vadd.f32 v43, v1;
	v1 =	vadd.f32 v31, v7;
	v7 =	vld.idx.msk [tilespmem:v6+s3+$0x0], $0xffff  }
0xeb: {  	v6 =	vld [tilespmem:$0x1FFD0]  }
0xec: {  	v15 =	vadd.f32 v27, v15;
	v27 =	vld.idx.msk [tilespmem:v55+s3+$0x0], $0xffff;
	v4 =	vadd.f32 v26, v4  }
0xed: {  	v38 =	vld.idx.msk [tilespmem:v60+s3+$0x0], $0xffff  }
0xee: {  	v20 =	vadd.f32 v20, v4;
	v4 =	vld [tilespmem:$0x1FFF0]  }
0xef: {  	v39 =	vld.idx.msk [tilespmem:v61+s3+$0x0], $0xffff  }
0xf0: {  	v40 =	vld.idx.msk [tilespmem:v63+s3+$0x0], $0xffff  }
0xf1: {  	v3 =	vld.idx.msk [tilespmem:v62+s3+$0x0], $0xffff;
	v5 =	vadd.f32 v27, v5  }
0xf2: {  	v24 =	vld.idx.msk [tilespmem:v49+s3+$0x0], $0xffff  }
0xf3: {  	s24 =	simm.s32 $0x100;
	s25 =	simm.s32 $0x200;
	s23 =	simm.s32 $0x0;
	v21 =	vadd.f32 v4, v5;
	v6 =	vld.idx.msk [tilespmem:v6+s3+$0x0], $0xffff  }
.LBB2_4:
0xf4: {  	s28 =	sand.u32 $0x3800, s25;
	s26 =	sand.u32 $0x300, s24;
	v4 =	vld.idx.msk [tilespmem:v28+s3+$0x0], $0xffff;
	v0 =	vadd.f32 v36, v0;
	v1 =	vadd.f32 v37, v1  }
0xf5: {  	v5 =	vadd.f32 v38, v14;
	v15 =	vadd.f32 v39, v15;
	s29 =	sadd.s32 $0x1D100, s28;
	s30 =	sor.u32 $0x80, s26;
	v25 =	vld.idx.msk [tilespmem:v25+s3+$0x0], $0xffff  }
0xf6: {  	v3 =	vadd.f32 v3, v12;
	v13 =	vadd.f32 v40, v13;
	s31 =	sadd.s32 s30, s29;
	v22 =	vld.idx.msk [tilespmem:v22+s3+$0x0], $0xffff  }
0xf7: {  	v14 =	vadd.f32 v33, v5;
	v15 =	vadd.f32 v35, v15;
	v26 =	vld [tilespmem:s31+$0x0]  }
0xf8: {  	v12 =	vadd.f32 v32, v3;
	v13 =	vadd.f32 v34, v13;
	v5 =	vld [tilespmem:s31+$0x10]  }
0xf9: {  	v2 =	vadd.f32 v2, v8;
	v7 =	vadd.f32 v7, v9;
	v3 =	vld [tilespmem:s31+$0x20]  }
0xfa: {  	v6 =	vadd.f32 v6, v10;
	v4 =	vadd.f32 v4, v11;
	v27 =	vld [tilespmem:s31+$0x30]  }
0xfb: {  	v8 =	vadd.f32 v23, v2;
	v9 =	vadd.f32 v24, v7;
	v29 =	vld [tilespmem:s31+$0x40]  }
0xfc: {  	v10 =	vadd.f32 v25, v6;
	v11 =	vadd.f32 v22, v4;
	v2 =	vld [tilespmem:s31+$0x50]  }
0xfd: {  	s28 =	sadd.s32 $0x1D500, s28;
	v4 =	vld [tilespmem:s31+$0x60]  }
0xfe: {  	s30 =	sadd.s32 s30, s28;
	v6 =	vld [tilespmem:s31+$0x70]  }
0xff: {  	v7 =	vld [tilespmem:s30+$0x0]  }
0x100: {  	v23 =	vld [tilespmem:s30+$0x10]  }
0x101: {  	v24 =	vld [tilespmem:s30+$0x20]  }
0x102: {  	v30 =	vld [tilespmem:s30+$0x30]  }
0x103: {  	v31 =	vld [tilespmem:s30+$0x40]  }
0x104: {  	v38 =	vld [tilespmem:s30+$0x50]  }
0x105: {  	v25 =	vld [tilespmem:s30+$0x60]  }
0x106: {  	s29 =	sadd.s32 s26, s29;
	v22 =	vld [tilespmem:s30+$0x70]  }
0x107: {  	v39 =	vld [tilespmem:s29+$0x0]  }
0x108: {  	v40 =	vld [tilespmem:s29+$0x10]  }
0x109: {  	v41 =	vld [tilespmem:s29+$0x20]  }
0x10a: {  	v42 =	vld [tilespmem:s29+$0x30]  }
0x10b: {  	v43 =	vld [tilespmem:s29+$0x40]  }
0x10c: {  	v44 =	vld [tilespmem:s29+$0x50]  }
0x10d: {  	v45 =	vld [tilespmem:s29+$0x60]  }
0x10e: {  	s26 =	sadd.s32 s26, s28;
	v46 =	vld [tilespmem:s29+$0x70]  }
0x10f: {  	v47 =	vld [tilespmem:s26+$0x0]  }
0x110: {  	v48 =	vld [tilespmem:s26+$0x10]  }
0x111: {  	v49 =	vld [tilespmem:s26+$0x20]  }
0x112: {  	v50 =	vld [tilespmem:s26+$0x30]  }
0x113: {  	v51 =	vld [tilespmem:s26+$0x40]  }
0x114: {  	v52 =	vld [tilespmem:s26+$0x50]  }
0x115: {  	v53 =	vld [tilespmem:s26+$0x60]  }
0x116: {  	v28 =	vld [tilespmem:s26+$0x70]  }
0x117: {  	v26 =	vld.idx.msk [tilespmem:v26+s3+$0x0], $0xffff  }
0x118: {  	v5 =	vld.idx.msk [tilespmem:v5+s3+$0x0], $0xffff  }
0x119: {  	v54 =	vld.idx.msk [tilespmem:v3+s3+$0x0], $0xffff  }
0x11a: {  	v27 =	vld.idx.msk [tilespmem:v27+s3+$0x0], $0xffff  }
0x11b: {  	v29 =	vld.idx.msk [tilespmem:v29+s3+$0x0], $0xffff  }
0x11c: {  	v55 =	vld.idx.msk [tilespmem:v2+s3+$0x0], $0xffff  }
0x11d: {  	v36 =	vld.idx.msk [tilespmem:v4+s3+$0x0], $0xffff  }
0x11e: {  	v37 =	vld.idx.msk [tilespmem:v6+s3+$0x0], $0xffff  }
0x11f: {  	v33 =	vld.idx.msk [tilespmem:v7+s3+$0x0], $0xffff  }
0x120: {  	v35 =	vld.idx.msk [tilespmem:v23+s3+$0x0], $0xffff  }
0x121: {  	v32 =	vld.idx.msk [tilespmem:v24+s3+$0x0], $0xffff  }
0x122: {  	v34 =	vld.idx.msk [tilespmem:v30+s3+$0x0], $0xffff  }
0x123: {  	v23 =	vld.idx.msk [tilespmem:v31+s3+$0x0], $0xffff  }
0x124: {  	v24 =	vld.idx.msk [tilespmem:v38+s3+$0x0], $0xffff  }
0x125: {  	v2 =	vld.idx.msk [tilespmem:v39+s3+$0x0], $0xffff  }
0x126: {  	v3 =	vld.idx.msk [tilespmem:v40+s3+$0x0], $0xffff  }
0x127: {  	v4 =	vld.idx.msk [tilespmem:v41+s3+$0x0], $0xffff  }
0x128: {  	v6 =	vld.idx.msk [tilespmem:v42+s3+$0x0], $0xffff  }
0x129: {  	s23 =	sadd.s32 $0x2, s23;
	v7 =	vld.idx.msk [tilespmem:v43+s3+$0x0], $0xffff  }
0x12a: {  	p0 =	slt.u32 s23, $0x26;
	v30 =	vld.idx.msk [tilespmem:v44+s3+$0x0], $0xffff  }
0x12b: {  	v31 =	vld.idx.msk [tilespmem:v45+s3+$0x0], $0xffff  }
0x12c: {  	v41 =	vld.idx.msk [tilespmem:v46+s3+$0x0], $0xffff  }
0x12d: {  	v2 =	vadd.f32 v2, v16;
	v17 =	vadd.f32 v3, v17;
	v38 =	vld.idx.msk [tilespmem:v47+s3+$0x0], $0xffff  }
0x12e: {  	v4 =	vadd.f32 v4, v18;
	v6 =	vadd.f32 v6, v19;
	v39 =	vld.idx.msk [tilespmem:v48+s3+$0x0], $0xffff  }
.Ltmp1:
0x12f: {  	v16 =	vadd.f32 v26, v2;
	v17 =	vadd.f32 v5, v17;
	v3 =	vld.idx.msk [tilespmem:v49+s3+$0x0], $0xffff;
	(pc) =	sbr.rel @p0 .LBB2_4-.Ltmp1, $4  }
0x130: {  	v18 =	vadd.f32 v54, v4;
	v19 =	vadd.f32 v27, v6;
	v40 =	vld.idx.msk [tilespmem:v50+s3+$0x0], $0xffff  }
0x131: {  	v4 =	vadd.f32 v7, v20;
	v5 =	vadd.f32 v30, v21;
	v2 =	vld.idx.msk [tilespmem:v51+s3+$0x0], $0xffff  }
0x132: {  	v0 =	vadd.f32 v31, v0;
	v1 =	vadd.f32 v41, v1;
	v7 =	vld.idx.msk [tilespmem:v52+s3+$0x0], $0xffff  }
0x133: {  	s24 =	sadd.s32 $0x100, s24;
	s25 =	sadd.s32 $0x200, s25;
	v20 =	vadd.f32 v29, v4;
	v21 =	vadd.f32 v55, v5;
	v6 =	vld.idx.msk [tilespmem:v53+s3+$0x0], $0xffff  }
0x134: {  	_ =	sdelay $0x3  }
0x135: {  	v4 =	vld.idx.msk [tilespmem:v28+s3+$0x0], $0xffff;
	_ =	sdelay $0x4  }
0x136: {  	[tilespmem:$0x1FF10] =	vst v4  }
0x137: {  	v4 =	vld.idx.msk [tilespmem:v25+s3+$0x0], $0xffff;
	_ =	sdelay $0x4  }
0x138: {  	[tilespmem:$0x1FF20] =	vst v4  }
0x139: {  	v4 =	vld.idx.msk [tilespmem:v22+s3+$0x0], $0xffff;
	_ =	sdelay $0x4  }
0x13a: {  	[tilespmem:$0x1FF30] =	vst v4  }
0x13b: {  	s23 =	simm.s32 $0x0;
	_ =	swait.ge [sflag:s18], $0x2800  }
0x13c: {  	s24 =	sand.u32 $0x3800, s23;
	s23 =	sand.u32 $0x300, s23;
	[sflag:s18] =	ssyncset.done $0x0  }
0x13d: {  	s23 =	sor.u32 s23, s24;
	[sflag:s18] =	ssyncadd.s32 $0xFFFFD800  }
0x13e: {  	[tilespmem:s19], [sflag:$0x2] =	stream.strided.gather [hbm4b:s9+s14], $0x2800, s15, s14, $0x38;
	[tilespmem:$0x1FA00] =	vst v63  }
0x13f: {  	s24 =	sadd.s32 $0x1A900, s23;
	v4 =	vld [tilespmem:s23+$0x1A900]  }
0x140: {  	v5 =	vld [tilespmem:s24+$0x80]  }
0x141: {  	v22 =	vld [tilespmem:s24+$0x90]  }
0x142: {  	v25 =	vld [tilespmem:s24+$0xA0]  }
0x143: {  	v27 =	vld [tilespmem:s24+$0xB0]  }
0x144: {  	v28 =	vld [tilespmem:s24+$0xC0]  }
0x145: {  	v29 =	vld [tilespmem:s24+$0xD0]  }
0x146: {  	v31 =	vld [tilespmem:s24+$0xE0]  }
0x147: {  	v44 =	vld [tilespmem:s24+$0xF0]  }
0x148: {  	v45 =	vld [tilespmem:s24+$0x480]  }
0x149: {  	v46 =	vld [tilespmem:s24+$0x490]  }
0x14a: {  	v47 =	vld [tilespmem:s24+$0x4A0]  }
0x14b: {  	v48 =	vld [tilespmem:s24+$0x4B0]  }
0x14c: {  	v49 =	vld [tilespmem:s24+$0x4C0]  }
0x14d: {  	v50 =	vld [tilespmem:s24+$0x4D0]  }
0x14e: {  	v30 =	vld [tilespmem:s24+$0x4E0]  }
0x14f: {  	v26 =	vld [tilespmem:s24+$0x4F0]  }
0x150: {  	v51 =	vld [tilespmem:s24+$0x10]  }
0x151: {  	v52 =	vld [tilespmem:s24+$0x20]  }
0x152: {  	v53 =	vld [tilespmem:s24+$0x30]  }
0x153: {  	v54 =	vld [tilespmem:s24+$0x40]  }
0x154: {  	v55 =	vld [tilespmem:s24+$0x50]  }
0x155: {  	v56 =	vld [tilespmem:s24+$0x60]  }
0x156: {  	v41 =	vld [tilespmem:s24+$0x440]  }
0x157: {  	v57 =	vld [tilespmem:s24+$0x70]  }
0x158: {  	v60 =	vld [tilespmem:s24+$0x400]  }
0x159: {  	v61 =	vld [tilespmem:s24+$0x410]  }
0x15a: {  	v62 =	vld [tilespmem:s24+$0x420]  }
0x15b: {  	v63 =	vld [tilespmem:s24+$0x430];
	[tilespmem:$0x1FF40] =	vst v41  }
0x15c: {  	v41 =	vld [tilespmem:s24+$0x450];
	_ =	sdelay $0x4  }
0x15d: {  	[tilespmem:$0x1FF50] =	vst v41  }
0x15e: {  	v41 =	vld.idx.msk [tilespmem:v4+s3+$0x0], $0xffff  }
0x15f: {  	v4 =	vld.idx.msk [tilespmem:v28+s3+$0x0], $0xffff;
	_ =	sdelay $0x1  }
0x160: {  	v42 =	vld.idx.msk [tilespmem:v5+s3+$0x0], $0xffff  }
0x161: {  	v43 =	vld.idx.msk [tilespmem:v22+s3+$0x0], $0xffff  }
0x162: {  	v58 =	vld.idx.msk [tilespmem:v25+s3+$0x0], $0xffff  }
0x163: {  	v59 =	vld.idx.msk [tilespmem:v27+s3+$0x0], $0xffff;
	[tilespmem:$0x1FF60] =	vst v4  }
0x164: {  	v4 =	vld.idx.msk [tilespmem:v29+s3+$0x0], $0xffff;
	_ =	sdelay $0x4  }
0x165: {  	[tilespmem:$0x1FF70] =	vst v4  }
0x166: {  	v4 =	vld.idx.msk [tilespmem:v31+s3+$0x0], $0xffff;
	_ =	sdelay $0x4  }
0x167: {  	[tilespmem:$0x1FF80] =	vst v4  }
0x168: {  	v29 =	vld.idx.msk [tilespmem:v48+s3+$0x0], $0xffff;
	v48 =	vadd.f32 v36, v0;
	v0 =	vadd.f32 v38, v14  }
0x169: {  	v37 =	vadd.f32 v37, v1;
	v1 =	vadd.f32 v39, v15  }
0x16a: {  	v3 =	vadd.f32 v3, v12;
	v15 =	vld.idx.msk [tilespmem:v52+s3+$0x0], $0xffff;
	v12 =	vadd.f32 v33, v0  }
0x16b: {  	v0 =	vadd.f32 v2, v8;
	v2 =	vadd.f32 v6, v10;
	v10 =	vld.idx.msk [tilespmem:v55+s3+$0x0], $0xffff;
	_ =	sdelay $0x4  }
0x16c: {  	v8 =	vadd.f32 v15, v18;
	v15 =	vadd.f32 v10, v21;
	v10 =	vld [tilespmem:$0x1FF40]  }
0x16d: {  	v4 =	vadd.f32 v32, v3;
	v3 =	vld [tilespmem:$0x1FF10]  }
0x16e: {  	v44 =	vld.idx.msk [tilespmem:v44+s3+$0x0], $0xffff  }
0x16f: {  	v28 =	vld.idx.msk [tilespmem:v45+s3+$0x0], $0xffff  }
0x170: {  	v31 =	vld.idx.msk [tilespmem:v46+s3+$0x0], $0xffff  }
0x171: {  	v27 =	vld.idx.msk [tilespmem:v47+s3+$0x0], $0xffff  }
0x172: {  	v45 =	vld [tilespmem:s24+$0x460]  }
0x173: {  	v46 =	vld [tilespmem:s24+$0x470]  }
0x174: {  	v33 =	vld.idx.msk [tilespmem:v10+s3+$0x0], $0xffff  }
0x175: {  	v10 =	vld [tilespmem:$0x1FF50]  }
0x176: {  	v14 =	vld.idx.msk [tilespmem:v51+s3+$0x0], $0xffff  }
0x177: {  	v6 =	vld [tilespmem:$0x1FF20]  }
0x178: {  	v0 =	vadd.f32 v23, v0;
	v23 =	vld.idx.msk [tilespmem:v57+s3+$0x0], $0xffff  }
0x179: {  	v22 =	vld.idx.msk [tilespmem:v49+s3+$0x0], $0xffff  }
0x17a: {  	v5 =	vadd.f32 v40, v13;
	v54 =	vld.idx.msk [tilespmem:v54+s3+$0x0], $0xffff  }
0x17b: {  	v13 =	vadd.f32 v35, v1;
	v3 =	vadd.f32 v3, v11;
	v11 =	vld.idx.msk [tilespmem:v56+s3+$0x0], $0xffff  }
0x17c: {  	v1 =	vadd.f32 v7, v9;
	v2 =	vadd.f32 v6, v2;
	v6 =	vld [tilespmem:$0x1FF30]  }
0x17d: {  	v7 =	vadd.f32 v14, v17;
	v17 =	vadd.f32 v23, v37;
	v37 =	vld.idx.msk [tilespmem:v10+s3+$0x0], $0xffff  }
0x17e: {  	v10 =	vld [tilespmem:$0x1FF60]  }
0x17f: {  	v53 =	vld.idx.msk [tilespmem:v53+s3+$0x0], $0xffff  }
0x180: {  	v5 =	vadd.f32 v34, v5;
	v34 =	vld.idx.msk [tilespmem:v60+s3+$0x0], $0xffff  }
0x181: {  	v38 =	vld.idx.msk [tilespmem:v61+s3+$0x0], $0xffff;
	v14 =	vadd.f32 v54, v20;
	v3 =	vadd.f32 v6, v3  }
0x182: {  	v6 =	vadd.f32 v41, v16;
	v16 =	vadd.f32 v11, v48;
	v11 =	vld [tilespmem:$0x1FF70]  }
0x183: {  	v10 =	vadd.f32 v10, v14;
	v14 =	vld [tilespmem:$0x1FF80]  }
0x184: {  	v36 =	vld.idx.msk [tilespmem:v62+s3+$0x0], $0xffff;
	v9 =	vadd.f32 v53, v19  }
0x185: {  	v1 =	vadd.f32 v24, v1;
	v40 =	vld.idx.msk [tilespmem:v63+s3+$0x0], $0xffff;
	v7 =	vadd.f32 v43, v7  }
0x186: {  	v25 =	vld.idx.msk [tilespmem:v50+s3+$0x0], $0xffff;
	v8 =	vadd.f32 v58, v8;
	v9 =	vadd.f32 v59, v9  }
0x187: {  	v35 =	vld.idx.msk [tilespmem:v45+s3+$0x0], $0xffff;
	v6 =	vadd.f32 v42, v6;
	v11 =	vadd.f32 v11, v15  }
0x188: {  	s25 =	simm.s32 $0x200;
	s23 =	simm.s32 $0x0;
	s24 =	simm.s32 $0x100;
	v39 =	vld.idx.msk [tilespmem:v46+s3+$0x0], $0xffff;
	v15 =	vadd.f32 v44, v17;
	v14 =	vadd.f32 v14, v16  }
.LBB2_6:
0x189: {  	s26 =	sand.u32 $0x3800, s25;
	s28 =	sand.u32 $0x300, s24;
	v12 =	vadd.f32 v34, v12;
	v13 =	vadd.f32 v38, v13;
	v16 =	vld.idx.msk [tilespmem:v30+s3+$0x0], $0xffff  }
0x18a: {  	v4 =	vadd.f32 v36, v4;
	v5 =	vadd.f32 v40, v5;
	s28 =	sor.u32 s28, s26;
	v17 =	vld.idx.msk [tilespmem:v26+s3+$0x0], $0xffff  }
0x18b: {  	s26 =	sadd.s32 $0x1A900, s28;
	v18 =	vld [tilespmem:s28+$0x1A900];
	v12 =	vadd.f32 v28, v12;
	v13 =	vadd.f32 v31, v13  }
0x18c: {  	v4 =	vadd.f32 v27, v4;
	v5 =	vadd.f32 v29, v5;
	v19 =	vld [tilespmem:s26+$0x80]  }
0x18d: {  	v0 =	vadd.f32 v33, v0;
	v1 =	vadd.f32 v37, v1;
	v20 =	vld [tilespmem:s26+$0x90]  }
0x18e: {  	v2 =	vadd.f32 v35, v2;
	v3 =	vadd.f32 v39, v3;
	v21 =	vld [tilespmem:s26+$0xA0]  }
0x18f: {  	v0 =	vadd.f32 v22, v0;
	v1 =	vadd.f32 v25, v1;
	v23 =	vld [tilespmem:s26+$0xB0]  }
0x190: {  	v2 =	vadd.f32 v16, v2;
	v3 =	vadd.f32 v17, v3;
	v22 =	vld [tilespmem:s26+$0xC0]  }
0x191: {  	v16 =	vld [tilespmem:s26+$0xD0]  }
0x192: {  	v17 =	vld [tilespmem:s26+$0xE0]  }
0x193: {  	v24 =	vld [tilespmem:s26+$0xF0]  }
0x194: {  	v25 =	vld [tilespmem:s26+$0x480]  }
0x195: {  	v27 =	vld [tilespmem:s26+$0x490]  }
0x196: {  	v29 =	vld [tilespmem:s26+$0x4A0]  }
0x197: {  	v32 =	vld [tilespmem:s26+$0x4B0]  }
0x198: {  	v33 =	vld [tilespmem:s26+$0x4C0]  }
0x199: {  	v34 =	vld [tilespmem:s26+$0x4D0]  }
0x19a: {  	v30 =	vld [tilespmem:s26+$0x4E0]  }
0x19b: {  	v26 =	vld [tilespmem:s26+$0x4F0]  }
0x19c: {  	v35 =	vld [tilespmem:s26+$0x10]  }
0x19d: {  	v36 =	vld [tilespmem:s26+$0x20]  }
0x19e: {  	v37 =	vld [tilespmem:s26+$0x30]  }
0x19f: {  	v38 =	vld [tilespmem:s26+$0x40]  }
0x1a0: {  	v39 =	vld [tilespmem:s26+$0x50]  }
0x1a1: {  	v40 =	vld [tilespmem:s26+$0x60]  }
0x1a2: {  	v41 =	vld [tilespmem:s26+$0x70]  }
0x1a3: {  	v42 =	vld [tilespmem:s26+$0x400]  }
0x1a4: {  	v43 =	vld [tilespmem:s26+$0x410]  }
0x1a5: {  	v44 =	vld [tilespmem:s26+$0x420]  }
0x1a6: {  	v45 =	vld [tilespmem:s26+$0x430]  }
0x1a7: {  	v46 =	vld [tilespmem:s26+$0x440]  }
0x1a8: {  	v47 =	vld [tilespmem:s26+$0x450]  }
0x1a9: {  	v48 =	vld [tilespmem:s26+$0x460]  }
0x1aa: {  	v49 =	vld [tilespmem:s26+$0x470]  }
0x1ab: {  	v18 =	vld.idx.msk [tilespmem:v18+s3+$0x0], $0xffff  }
0x1ac: {  	v19 =	vld.idx.msk [tilespmem:v19+s3+$0x0], $0xffff  }
0x1ad: {  	v20 =	vld.idx.msk [tilespmem:v20+s3+$0x0], $0xffff  }
0x1ae: {  	v21 =	vld.idx.msk [tilespmem:v21+s3+$0x0], $0xffff  }
0x1af: {  	v23 =	vld.idx.msk [tilespmem:v23+s3+$0x0], $0xffff  }
0x1b0: {  	v50 =	vld.idx.msk [tilespmem:v22+s3+$0x0], $0xffff  }
0x1b1: {  	v16 =	vld.idx.msk [tilespmem:v16+s3+$0x0], $0xffff  }
0x1b2: {  	v17 =	vld.idx.msk [tilespmem:v17+s3+$0x0], $0xffff  }
0x1b3: {  	v24 =	vld.idx.msk [tilespmem:v24+s3+$0x0], $0xffff  }
0x1b4: {  	v28 =	vld.idx.msk [tilespmem:v25+s3+$0x0], $0xffff  }
0x1b5: {  	v31 =	vld.idx.msk [tilespmem:v27+s3+$0x0], $0xffff  }
0x1b6: {  	v27 =	vld.idx.msk [tilespmem:v29+s3+$0x0], $0xffff  }
0x1b7: {  	v29 =	vld.idx.msk [tilespmem:v32+s3+$0x0], $0xffff  }
0x1b8: {  	v22 =	vld.idx.msk [tilespmem:v33+s3+$0x0], $0xffff  }
0x1b9: {  	v25 =	vld.idx.msk [tilespmem:v34+s3+$0x0], $0xffff  }
0x1ba: {  	v32 =	vld.idx.msk [tilespmem:v35+s3+$0x0], $0xffff  }
0x1bb: {  	v33 =	vld.idx.msk [tilespmem:v36+s3+$0x0], $0xffff  }
0x1bc: {  	v35 =	vld.idx.msk [tilespmem:v37+s3+$0x0], $0xffff  }
0x1bd: {  	s23 =	sadd.s32 $0x2, s23;
	v37 =	vld.idx.msk [tilespmem:v38+s3+$0x0], $0xffff  }
0x1be: {  	p0 =	slt.u32 s23, $0x26;
	v39 =	vld.idx.msk [tilespmem:v39+s3+$0x0], $0xffff  }
0x1bf: {  	v51 =	vld.idx.msk [tilespmem:v40+s3+$0x0], $0xffff  }
0x1c0: {  	v41 =	vld.idx.msk [tilespmem:v41+s3+$0x0], $0xffff  }
0x1c1: {  	v6 =	vadd.f32 v18, v6;
	v7 =	vadd.f32 v32, v7;
	v34 =	vld.idx.msk [tilespmem:v42+s3+$0x0], $0xffff  }
0x1c2: {  	v8 =	vadd.f32 v33, v8;
	v9 =	vadd.f32 v35, v9;
	v38 =	vld.idx.msk [tilespmem:v43+s3+$0x0], $0xffff  }
0x1c3: {  	v6 =	vadd.f32 v19, v6;
	v7 =	vadd.f32 v20, v7;
	v36 =	vld.idx.msk [tilespmem:v44+s3+$0x0], $0xffff  }
.Ltmp2:
0x1c4: {  	v8 =	vadd.f32 v21, v8;
	v9 =	vadd.f32 v23, v9;
	v40 =	vld.idx.msk [tilespmem:v45+s3+$0x0], $0xffff;
	(pc) =	sbr.rel @p0 .LBB2_6-.Ltmp2, $4  }
0x1c5: {  	v10 =	vadd.f32 v37, v10;
	v11 =	vadd.f32 v39, v11;
	v33 =	vld.idx.msk [tilespmem:v46+s3+$0x0], $0xffff  }
0x1c6: {  	v14 =	vadd.f32 v51, v14;
	v15 =	vadd.f32 v41, v15;
	v37 =	vld.idx.msk [tilespmem:v47+s3+$0x0], $0xffff  }
0x1c7: {  	v10 =	vadd.f32 v50, v10;
	v11 =	vadd.f32 v16, v11;
	v35 =	vld.idx.msk [tilespmem:v48+s3+$0x0], $0xffff  }
0x1c8: {  	s24 =	sadd.s32 $0x100, s24;
	s25 =	sadd.s32 $0x200, s25;
	v14 =	vadd.f32 v17, v14;
	v15 =	vadd.f32 v24, v15;
	v39 =	vld.idx.msk [tilespmem:v49+s3+$0x0], $0xffff  }
0x1c9: {  	_ =	sdelay $0x3  }
0x1ca: {  	v16 =	vld.idx.msk [tilespmem:v30+s3+$0x0], $0xffff;
	_ =	sdelay $0x4  }
0x1cb: {  	[tilespmem:$0x1FEB0] =	vst v16  }
0x1cc: {  	v16 =	vld.idx.msk [tilespmem:v26+s3+$0x0], $0xffff;
	_ =	sdelay $0x4  }
0x1cd: {  	s23 =	simm.s32 $0x0;
	[tilespmem:$0x1FEC0] =	vst v16  }
0x1ce: {  	s24 =	sand.u32 $0x3800, s23;
	s23 =	sand.u32 $0x300, s23;
	_ =	swait.ge [sflag:s20], $0x2800  }
0x1cf: {  	s25 =	sadd.s32 $0x1D100, s24;
	s26 =	sor.u32 $0x80, s23;
	[sflag:s20] =	ssyncset.done $0x0  }
0x1d0: {  	s28 =	sadd.s32 s26, s25;
	[sflag:s20] =	ssyncadd.s32 $0xFFFFD800  }
0x1d1: {  	[tilespmem:s16], [sflag:$0x1] =	stream.strided.gather [hbm4b:s10+s14], $0x2800, s15, s14, $0x38;
	[tilespmem:$0x1FA00] =	vst v63  }
0x1d2: {  	v16 =	vld [tilespmem:s28+$0x0]  }
0x1d3: {  	v17 =	vld [tilespmem:s28+$0x10]  }
0x1d4: {  	v20 =	vld [tilespmem:s28+$0x20]  }
0x1d5: {  	v21 =	vld [tilespmem:s28+$0x30]  }
0x1d6: {  	v23 =	vld [tilespmem:s28+$0x40]  }
0x1d7: {  	v24 =	vld [tilespmem:s28+$0x50]  }
0x1d8: {  	s24 =	sadd.s32 $0x1D500, s24;
	v26 =	vld [tilespmem:s28+$0x60]  }
0x1d9: {  	s26 =	sadd.s32 s26, s24;
	v30 =	vld [tilespmem:s28+$0x70]  }
0x1da: {  	v43 =	vld [tilespmem:s26+$0x0]  }
0x1db: {  	v44 =	vld [tilespmem:s26+$0x10]  }
0x1dc: {  	v45 =	vld [tilespmem:s26+$0x20]  }
0x1dd: {  	v46 =	vld [tilespmem:s26+$0x30]  }
0x1de: {  	v47 =	vld [tilespmem:s26+$0x40]  }
0x1df: {  	v48 =	vld [tilespmem:s26+$0x50]  }
0x1e0: {  	v19 =	vld [tilespmem:s26+$0x60]  }
0x1e1: {  	s25 =	sadd.s32 s23, s25;
	v18 =	vld [tilespmem:s26+$0x70]  }
0x1e2: {  	v49 =	vld [tilespmem:s25+$0x0]  }
0x1e3: {  	v50 =	vld [tilespmem:s25+$0x10]  }
0x1e4: {  	v51 =	vld [tilespmem:s25+$0x20]  }
0x1e5: {  	v52 =	vld [tilespmem:s25+$0x30]  }
0x1e6: {  	v53 =	vld [tilespmem:s25+$0x40]  }
0x1e7: {  	v54 =	vld [tilespmem:s25+$0x50]  }
0x1e8: {  	s23 =	sadd.s32 s23, s24;
	v55 =	vld [tilespmem:s25+$0x60]  }
0x1e9: {  	v32 =	vld [tilespmem:s23+$0x40]  }
0x1ea: {  	v58 =	vld [tilespmem:s25+$0x70]  }
0x1eb: {  	v59 =	vld [tilespmem:s23+$0x0]  }
0x1ec: {  	v60 =	vld [tilespmem:s23+$0x10]  }
0x1ed: {  	v61 =	vld [tilespmem:s23+$0x20]  }
0x1ee: {  	v62 =	vld [tilespmem:s23+$0x30];
	[tilespmem:$0x1FED0] =	vst v32  }
0x1ef: {  	v32 =	vld [tilespmem:s23+$0x50];
	_ =	sdelay $0x4  }
0x1f0: {  	[tilespmem:$0x1FEE0] =	vst v32  }
0x1f1: {  	v32 =	vld [tilespmem:s23+$0x60];
	_ =	sdelay $0x2  }
0x1f2: {  	v1 =	vadd.f32 v37, v1;
	_ =	sdelay $0x1  }
0x1f3: {  	v1 =	vadd.f32 v25, v1;
	v25 =	vld [tilespmem:$0x1FEB0];
	[tilespmem:$0x1FEF0] =	vst v32  }
0x1f4: {  	v41 =	vld.idx.msk [tilespmem:v16+s3+$0x0], $0xffff  }
0x1f5: {  	v16 =	vld.idx.msk [tilespmem:v24+s3+$0x0], $0xffff  }
0x1f6: {  	v32 =	vld [tilespmem:s23+$0x70]  }
0x1f7: {  	v42 =	vld.idx.msk [tilespmem:v17+s3+$0x0], $0xffff  }
0x1f8: {  	v56 =	vld.idx.msk [tilespmem:v20+s3+$0x0], $0xffff  }
0x1f9: {  	v0 =	vadd.f32 v33, v0;
	v57 =	vld.idx.msk [tilespmem:v21+s3+$0x0], $0xffff  }
0x1fa: {  	v63 =	vld.idx.msk [tilespmem:v23+s3+$0x0], $0xffff;
	[tilespmem:$0x1FF00] =	vst v16  }
0x1fb: {  	v2 =	vadd.f32 v35, v2;
	v0 =	vadd.f32 v22, v0;
	v22 =	vld.idx.msk [tilespmem:v55+s3+$0x0], $0xffff;
	_ =	sdelay $0x1  }
0x1fc: {  	v2 =	vadd.f32 v25, v2;
	v25 =	vld [tilespmem:$0x1FEC0]  }
0x1fd: {  	v26 =	vld.idx.msk [tilespmem:v26+s3+$0x0], $0xffff  }
0x1fe: {  	v30 =	vld.idx.msk [tilespmem:v30+s3+$0x0], $0xffff  }
0x1ff: {  	v13 =	vadd.f32 v38, v13;
	v38 =	vadd.f32 v22, v14;
	v14 =	vld [tilespmem:$0x1FEE0]  }
0x200: {  	v21 =	vld.idx.msk [tilespmem:v43+s3+$0x0], $0xffff  }
0x201: {  	v24 =	vld.idx.msk [tilespmem:v44+s3+$0x0], $0xffff  }
0x202: {  	v20 =	vld.idx.msk [tilespmem:v45+s3+$0x0], $0xffff  }
0x203: {  	v23 =	vld.idx.msk [tilespmem:v46+s3+$0x0], $0xffff  }
0x204: {  	v16 =	vld.idx.msk [tilespmem:v47+s3+$0x0], $0xffff  }
0x205: {  	v49 =	vld.idx.msk [tilespmem:v49+s3+$0x0], $0xffff  }
0x206: {  	v50 =	vld.idx.msk [tilespmem:v50+s3+$0x0], $0xffff  }
0x207: {  	v4 =	vadd.f32 v36, v4;
	v35 =	vld.idx.msk [tilespmem:v14+s3+$0x0], $0xffff  }
0x208: {  	v12 =	vadd.f32 v34, v12;
	v14 =	vld [tilespmem:$0x1FEF0]  }
0x209: {  	v5 =	vadd.f32 v40, v5;
	v4 =	vadd.f32 v27, v4;
	v27 =	vld.idx.msk [tilespmem:v52+s3+$0x0], $0xffff  }
0x20a: {  	v12 =	vadd.f32 v28, v12;
	v28 =	vld.idx.msk [tilespmem:v51+s3+$0x0], $0xffff  }
0x20b: {  	v5 =	vadd.f32 v29, v5;
	v3 =	vadd.f32 v39, v3;
	v29 =	vld.idx.msk [tilespmem:v53+s3+$0x0], $0xffff  }
0x20c: {  	v54 =	vld.idx.msk [tilespmem:v54+s3+$0x0], $0xffff  }
0x20d: {  	v3 =	vadd.f32 v25, v3;
	v25 =	vld.idx.msk [tilespmem:v58+s3+$0x0], $0xffff  }
0x20e: {  	v9 =	vadd.f32 v27, v9;
	v27 =	vld [tilespmem:$0x1FED0]  }
0x20f: {  	v13 =	vadd.f32 v31, v13;
	v31 =	vld.idx.msk [tilespmem:v59+s3+$0x0], $0xffff  }
0x210: {  	v34 =	vld.idx.msk [tilespmem:v14+s3+$0x0], $0xffff  }
0x211: {  	v6 =	vadd.f32 v49, v6;
	v7 =	vadd.f32 v50, v7;
	v14 =	vld [tilespmem:$0x1FF00]  }
0x212: {  	v36 =	vld.idx.msk [tilespmem:v60+s3+$0x0], $0xffff;
	v8 =	vadd.f32 v28, v8;
	v10 =	vadd.f32 v29, v10  }
0x213: {  	v33 =	vld.idx.msk [tilespmem:v61+s3+$0x0], $0xffff;
	v11 =	vadd.f32 v54, v11;
	v39 =	vadd.f32 v25, v15  }
0x214: {  	v37 =	vld.idx.msk [tilespmem:v62+s3+$0x0], $0xffff;
	v6 =	vadd.f32 v41, v6;
	v7 =	vadd.f32 v42, v7  }
0x215: {  	v17 =	vld.idx.msk [tilespmem:v48+s3+$0x0], $0xffff;
	v8 =	vadd.f32 v56, v8;
	v9 =	vadd.f32 v57, v9  }
0x216: {  	s24 =	simm.s32 $0x100;
	s25 =	simm.s32 $0x200;
	s23 =	simm.s32 $0x0;
	v10 =	vadd.f32 v63, v10;
	v29 =	vld.idx.msk [tilespmem:v27+s3+$0x0], $0xffff;
	v11 =	vadd.f32 v14, v11  }
.LBB2_8:
0x217: {  	s28 =	sand.u32 $0x3800, s25;
	s26 =	sand.u32 $0x300, s24;
	v22 =	vld.idx.msk [tilespmem:v32+s3+$0x0], $0xffff;
	v14 =	vadd.f32 v26, v38;
	v15 =	vadd.f32 v30, v39  }
0x218: {  	v12 =	vadd.f32 v31, v12;
	v13 =	vadd.f32 v36, v13;
	s29 =	sadd.s32 $0x1D100, s28;
	s30 =	sor.u32 $0x80, s26;
	v19 =	vld.idx.msk [tilespmem:v19+s3+$0x0], $0xffff  }
0x219: {  	v4 =	vadd.f32 v33, v4;
	v5 =	vadd.f32 v37, v5;
	s31 =	sadd.s32 s30, s29;
	v18 =	vld.idx.msk [tilespmem:v18+s3+$0x0], $0xffff  }
0x21a: {  	v12 =	vadd.f32 v21, v12;
	v13 =	vadd.f32 v24, v13;
	v25 =	vld [tilespmem:s31+$0x0]  }
0x21b: {  	v4 =	vadd.f32 v20, v4;
	v5 =	vadd.f32 v23, v5;
	v21 =	vld [tilespmem:s31+$0x10]  }
0x21c: {  	v0 =	vadd.f32 v29, v0;
	v1 =	vadd.f32 v35, v1;
	v20 =	vld [tilespmem:s31+$0x20]  }
0x21d: {  	v2 =	vadd.f32 v34, v2;
	v3 =	vadd.f32 v22, v3;
	v23 =	vld [tilespmem:s31+$0x30]  }
0x21e: {  	v0 =	vadd.f32 v16, v0;
	v1 =	vadd.f32 v17, v1;
	v22 =	vld [tilespmem:s31+$0x40]  }
0x21f: {  	v2 =	vadd.f32 v19, v2;
	v3 =	vadd.f32 v18, v3;
	v16 =	vld [tilespmem:s31+$0x50]  }
0x220: {  	s28 =	sadd.s32 $0x1D500, s28;
	v17 =	vld [tilespmem:s31+$0x60]  }
0x221: {  	s30 =	sadd.s32 s30, s28;
	v24 =	vld [tilespmem:s31+$0x70]  }
0x222: {  	v27 =	vld [tilespmem:s30+$0x0]  }
0x223: {  	v28 =	vld [tilespmem:s30+$0x10]  }
0x224: {  	v29 =	vld [tilespmem:s30+$0x20]  }
0x225: {  	v31 =	vld [tilespmem:s30+$0x30]  }
0x226: {  	v33 =	vld [tilespmem:s30+$0x40]  }
0x227: {  	v34 =	vld [tilespmem:s30+$0x50]  }
0x228: {  	v19 =	vld [tilespmem:s30+$0x60]  }
0x229: {  	s29 =	sadd.s32 s26, s29;
	v18 =	vld [tilespmem:s30+$0x70]  }
0x22a: {  	v35 =	vld [tilespmem:s29+$0x0]  }
0x22b: {  	v36 =	vld [tilespmem:s29+$0x10]  }
0x22c: {  	v37 =	vld [tilespmem:s29+$0x20]  }
0x22d: {  	v38 =	vld [tilespmem:s29+$0x30]  }
0x22e: {  	v39 =	vld [tilespmem:s29+$0x40]  }
0x22f: {  	v40 =	vld [tilespmem:s29+$0x50]  }
0x230: {  	v41 =	vld [tilespmem:s29+$0x60]  }
0x231: {  	s26 =	sadd.s32 s26, s28;
	v42 =	vld [tilespmem:s29+$0x70]  }
0x232: {  	v43 =	vld [tilespmem:s26+$0x0]  }
0x233: {  	v44 =	vld [tilespmem:s26+$0x10]  }
0x234: {  	v45 =	vld [tilespmem:s26+$0x20]  }
0x235: {  	v46 =	vld [tilespmem:s26+$0x30]  }
0x236: {  	v47 =	vld [tilespmem:s26+$0x40]  }
0x237: {  	v48 =	vld [tilespmem:s26+$0x50]  }
0x238: {  	v49 =	vld [tilespmem:s26+$0x60]  }
0x239: {  	v32 =	vld [tilespmem:s26+$0x70]  }
0x23a: {  	v25 =	vld.idx.msk [tilespmem:v25+s3+$0x0], $0xffff  }
0x23b: {  	v50 =	vld.idx.msk [tilespmem:v21+s3+$0x0], $0xffff  }
0x23c: {  	v51 =	vld.idx.msk [tilespmem:v20+s3+$0x0], $0xffff  }
0x23d: {  	v52 =	vld.idx.msk [tilespmem:v23+s3+$0x0], $0xffff  }
0x23e: {  	v22 =	vld.idx.msk [tilespmem:v22+s3+$0x0], $0xffff  }
0x23f: {  	v53 =	vld.idx.msk [tilespmem:v16+s3+$0x0], $0xffff  }
0x240: {  	v26 =	vld.idx.msk [tilespmem:v17+s3+$0x0], $0xffff  }
0x241: {  	v30 =	vld.idx.msk [tilespmem:v24+s3+$0x0], $0xffff  }
0x242: {  	v21 =	vld.idx.msk [tilespmem:v27+s3+$0x0], $0xffff  }
0x243: {  	v24 =	vld.idx.msk [tilespmem:v28+s3+$0x0], $0xffff  }
0x244: {  	v20 =	vld.idx.msk [tilespmem:v29+s3+$0x0], $0xffff  }
0x245: {  	v23 =	vld.idx.msk [tilespmem:v31+s3+$0x0], $0xffff  }
0x246: {  	v16 =	vld.idx.msk [tilespmem:v33+s3+$0x0], $0xffff  }
0x247: {  	v17 =	vld.idx.msk [tilespmem:v34+s3+$0x0], $0xffff  }
0x248: {  	v27 =	vld.idx.msk [tilespmem:v35+s3+$0x0], $0xffff  }
0x249: {  	v28 =	vld.idx.msk [tilespmem:v36+s3+$0x0], $0xffff  }
0x24a: {  	v29 =	vld.idx.msk [tilespmem:v37+s3+$0x0], $0xffff  }
0x24b: {  	v33 =	vld.idx.msk [tilespmem:v38+s3+$0x0], $0xffff  }
0x24c: {  	s23 =	sadd.s32 $0x2, s23;
	v34 =	vld.idx.msk [tilespmem:v39+s3+$0x0], $0xffff  }
0x24d: {  	p0 =	slt.u32 s23, $0x26;
	v35 =	vld.idx.msk [tilespmem:v40+s3+$0x0], $0xffff  }
0x24e: {  	v38 =	vld.idx.msk [tilespmem:v41+s3+$0x0], $0xffff  }
0x24f: {  	v39 =	vld.idx.msk [tilespmem:v42+s3+$0x0], $0xffff  }
0x250: {  	v6 =	vadd.f32 v27, v6;
	v7 =	vadd.f32 v28, v7;
	v31 =	vld.idx.msk [tilespmem:v43+s3+$0x0], $0xffff  }
0x251: {  	v8 =	vadd.f32 v29, v8;
	v9 =	vadd.f32 v33, v9;
	v36 =	vld.idx.msk [tilespmem:v44+s3+$0x0], $0xffff  }
.Ltmp3:
0x252: {  	v6 =	vadd.f32 v25, v6;
	v7 =	vadd.f32 v50, v7;
	v33 =	vld.idx.msk [tilespmem:v45+s3+$0x0], $0xffff;
	(pc) =	sbr.rel @p0 .LBB2_8-.Ltmp3, $4  }
0x253: {  	v8 =	vadd.f32 v51, v8;
	v9 =	vadd.f32 v52, v9;
	v37 =	vld.idx.msk [tilespmem:v46+s3+$0x0], $0xffff  }
0x254: {  	v10 =	vadd.f32 v34, v10;
	v11 =	vadd.f32 v35, v11;
	v29 =	vld.idx.msk [tilespmem:v47+s3+$0x0], $0xffff  }
0x255: {  	v38 =	vadd.f32 v38, v14;
	v39 =	vadd.f32 v39, v15;
	v35 =	vld.idx.msk [tilespmem:v48+s3+$0x0], $0xffff  }
0x256: {  	s24 =	sadd.s32 $0x100, s24;
	s25 =	sadd.s32 $0x200, s25;
	v10 =	vadd.f32 v22, v10;
	v11 =	vadd.f32 v53, v11;
	v34 =	vld.idx.msk [tilespmem:v49+s3+$0x0], $0xffff  }
0x257: {  	_ =	sdelay $0x3  }
0x258: {  	v14 =	vld.idx.msk [tilespmem:v32+s3+$0x0], $0xffff;
	_ =	sdelay $0x4  }
0x259: {  	[tilespmem:$0x1FE50] =	vst v14  }
0x25a: {  	v14 =	vld.idx.msk [tilespmem:v19+s3+$0x0], $0xffff;
	_ =	sdelay $0x4  }
0x25b: {  	[tilespmem:$0x1FE60] =	vst v14  }
0x25c: {  	v14 =	vld.idx.msk [tilespmem:v18+s3+$0x0], $0xffff;
	_ =	sdelay $0x4  }
0x25d: {  	[tilespmem:$0x1FE70] =	vst v14  }
0x25e: {  	s23 =	simm.s32 $0x0;
	_ =	swait.ge [sflag:s18], $0x2800  }
0x25f: {  	s24 =	sand.u32 $0x3800, s23;
	s23 =	sand.u32 $0x300, s23;
	[sflag:s18] =	ssyncset.done $0x0  }
0x260: {  	s23 =	sor.u32 s23, s24;
	[sflag:s18] =	ssyncadd.s32 $0xFFFFD800  }
0x261: {  	s24 =	sadd.s32 $0x1A900, s23;
	v18 =	vld [tilespmem:s23+$0x1A900]  }
0x262: {  	v19 =	vld [tilespmem:s24+$0x80]  }
0x263: {  	v22 =	vld [tilespmem:s24+$0x90]  }
0x264: {  	v25 =	vld [tilespmem:s24+$0xA0]  }
0x265: {  	v27 =	vld [tilespmem:s24+$0xB0]  }
0x266: {  	v28 =	vld [tilespmem:s24+$0xC0]  }
0x267: {  	v42 =	vld [tilespmem:s24+$0xD0]  }
0x268: {  	v43 =	vld [tilespmem:s24+$0xE0]  }
0x269: {  	v44 =	vld [tilespmem:s24+$0xF0]  }
0x26a: {  	v45 =	vld [tilespmem:s24+$0x480]  }
0x26b: {  	v46 =	vld [tilespmem:s24+$0x490]  }
0x26c: {  	v47 =	vld [tilespmem:s24+$0x4A0]  }
0x26d: {  	v48 =	vld [tilespmem:s24+$0x4B0]  }
0x26e: {  	v49 =	vld [tilespmem:s24+$0x4C0]  }
0x26f: {  	v50 =	vld [tilespmem:s24+$0x4D0]  }
0x270: {  	v15 =	vld [tilespmem:s24+$0x4E0]  }
0x271: {  	v14 =	vld [tilespmem:s24+$0x4F0]  }
0x272: {  	v51 =	vld [tilespmem:s24+$0x10]  }
0x273: {  	v52 =	vld [tilespmem:s24+$0x20]  }
0x274: {  	v53 =	vld [tilespmem:s24+$0x30]  }
0x275: {  	v54 =	vld [tilespmem:s24+$0x40]  }
0x276: {  	v55 =	vld [tilespmem:s24+$0x50]  }
0x277: {  	v56 =	vld [tilespmem:s24+$0x60]  }
0x278: {  	v41 =	vld [tilespmem:s24+$0x440]  }
0x279: {  	v57 =	vld [tilespmem:s24+$0x70]  }
0x27a: {  	v60 =	vld [tilespmem:s24+$0x400]  }
0x27b: {  	v61 =	vld [tilespmem:s24+$0x410]  }
0x27c: {  	v62 =	vld [tilespmem:s24+$0x420]  }
0x27d: {  	v63 =	vld [tilespmem:s24+$0x430];
	[tilespmem:$0x1FE80] =	vst v41  }
0x27e: {  	v12 =	vadd.f32 v31, v12;
	v32 =	vld [tilespmem:s24+$0x450]  }
0x27f: {  	v38 =	vadd.f32 v26, v38;
	v26 =	vadd.f32 v36, v13  }
0x280: {  	v13 =	vadd.f32 v21, v12  }
0x281: {  	v12 =	vadd.f32 v24, v26;
	v24 =	vadd.f32 v34, v2;
	v2 =	vld [tilespmem:$0x1FE50];
	_ =	sdelay $0x1  }
0x282: {  	[tilespmem:$0x1FE90] =	vst v32  }
0x283: {  	v0 =	vadd.f32 v29, v0;
	v32 =	vld.idx.msk [tilespmem:v18+s3+$0x0], $0xffff  }
0x284: {  	v18 =	vld.idx.msk [tilespmem:v28+s3+$0x0], $0xffff  }
0x285: {  	v26 =	vadd.f32 v2, v3;
	v3 =	vadd.f32 v16, v0;
	v0 =	vld [tilespmem:$0x1FE60]  }
0x286: {  	v40 =	vld.idx.msk [tilespmem:v19+s3+$0x0], $0xffff  }
0x287: {  	v4 =	vadd.f32 v33, v4;
	v41 =	vld.idx.msk [tilespmem:v22+s3+$0x0], $0xffff  }
0x288: {  	v39 =	vadd.f32 v30, v39;
	v30 =	vadd.f32 v37, v5;
	v58 =	vld.idx.msk [tilespmem:v25+s3+$0x0], $0xffff  }
0x289: {  	v5 =	vadd.f32 v20, v4;
	v59 =	vld.idx.msk [tilespmem:v27+s3+$0x0], $0xffff;
	[tilespmem:$0x1FEA0] =	vst v18  }
0x28a: {  	v4 =	vadd.f32 v23, v30;
	v1 =	vadd.f32 v35, v1;
	v23 =	vld.idx.msk [tilespmem:v54+s3+$0x0], $0xffff  }
0x28b: {  	v55 =	vld.idx.msk [tilespmem:v55+s3+$0x0], $0xffff  }
0x28c: {  	v2 =	vadd.f32 v17, v1  }
0x28d: {  	v1 =	vadd.f32 v0, v24;
	v0 =	vld [tilespmem:$0x1FE70];
	v6 =	vadd.f32 v32, v6  }
0x28e: {  	v42 =	vld.idx.msk [tilespmem:v42+s3+$0x0], $0xffff  }
0x28f: {  	v43 =	vld.idx.msk [tilespmem:v43+s3+$0x0], $0xffff;
	v16 =	vadd.f32 v40, v6  }
0x290: {  	v6 =	vadd.f32 v23, v10;
	v10 =	vadd.f32 v55, v11;
	v11 =	vld [tilespmem:$0x1FE80]  }
0x291: {  	v21 =	vld.idx.msk [tilespmem:v52+s3+$0x0], $0xffff  }
0x292: {  	v44 =	vld.idx.msk [tilespmem:v44+s3+$0x0], $0xffff  }
0x293: {  	v20 =	vld.idx.msk [tilespmem:v53+s3+$0x0], $0xffff  }
0x294: {  	v28 =	vld.idx.msk [tilespmem:v45+s3+$0x0], $0xffff  }
0x295: {  	v27 =	vld.idx.msk [tilespmem:v46+s3+$0x0], $0xffff  }
0x296: {  	v25 =	vld.idx.msk [tilespmem:v47+s3+$0x0], $0xffff;
	v21 =	vadd.f32 v21, v8  }
0x297: {  	v22 =	vld.idx.msk [tilespmem:v48+s3+$0x0], $0xffff  }
0x298: {  	v20 =	vadd.f32 v20, v9;
	v9 =	vadd.f32 v58, v21;
	v21 =	vld.idx.msk [tilespmem:v11+s3+$0x0], $0xffff  }
0x299: {  	v11 =	vld [tilespmem:$0x1FE90]  }
0x29a: {  	v45 =	vld [tilespmem:s24+$0x460]  }
0x29b: {  	v48 =	vld [tilespmem:s24+$0x470]  }
0x29c: {  	v18 =	vld.idx.msk [tilespmem:v49+s3+$0x0], $0xffff  }
0x29d: {  	v31 =	vld.idx.msk [tilespmem:v51+s3+$0x0], $0xffff  }
0x29e: {  	v17 =	vld.idx.msk [tilespmem:v56+s3+$0x0], $0xffff  }
0x29f: {  	v24 =	vld.idx.msk [tilespmem:v57+s3+$0x0], $0xffff  }
0x2a0: {  	v29 =	vld.idx.msk [tilespmem:v60+s3+$0x0], $0xffff  }
0x2a1: {  	v23 =	vld.idx.msk [tilespmem:v11+s3+$0x0], $0xffff  }
0x2a2: {  	v11 =	vld [tilespmem:$0x1FEA0]  }
0x2a3: {  	v0 =	vadd.f32 v0, v26;
	v26 =	vld.idx.msk [tilespmem:v62+s3+$0x0], $0xffff  }
0x2a4: {  	v7 =	vadd.f32 v31, v7;
	v31 =	vld.idx.msk [tilespmem:v61+s3+$0x0], $0xffff  }
0x2a5: {  	v30 =	vld.idx.msk [tilespmem:v63+s3+$0x0], $0xffff;
	v62 =	vadd.f32 v17, v38;
	v63 =	vadd.f32 v24, v39  }
0x2a6: {  	v19 =	vld.idx.msk [tilespmem:v50+s3+$0x0], $0xffff;
	v8 =	vadd.f32 v41, v7;
	v7 =	vadd.f32 v59, v20  }
0x2a7: {  	v20 =	vld.idx.msk [tilespmem:v45+s3+$0x0], $0xffff;
	v17 =	vadd.f32 v11, v6;
	v11 =	vadd.f32 v42, v10  }
0x2a8: {  	s25 =	simm.s32 $0x200;
	s23 =	simm.s32 $0x0;
	s24 =	simm.s32 $0x100;
	v24 =	vld.idx.msk [tilespmem:v48+s3+$0x0], $0xffff;
	v10 =	vadd.f32 v43, v62;
	v6 =	vadd.f32 v44, v63  }
.LBB2_10:
0x2a9: {  	s26 =	sand.u32 $0x3800, s25;
	s28 =	sand.u32 $0x300, s24;
	v13 =	vadd.f32 v29, v13;
	v12 =	vadd.f32 v31, v12;
	v15 =	vld.idx.msk [tilespmem:v15+s3+$0x0], $0xffff  }
0x2aa: {  	v5 =	vadd.f32 v26, v5;
	v4 =	vadd.f32 v30, v4;
	s28 =	sor.u32 s28, s26;
	v14 =	vld.idx.msk [tilespmem:v14+s3+$0x0], $0xffff  }
0x2ab: {  	s26 =	sadd.s32 $0x1A900, s28;
	v26 =	vld [tilespmem:s28+$0x1A900];
	v13 =	vadd.f32 v28, v13;
	v12 =	vadd.f32 v27, v12  }
0x2ac: {  	v5 =	vadd.f32 v25, v5;
	v4 =	vadd.f32 v22, v4;
	v27 =	vld [tilespmem:s26+$0x80]  }
0x2ad: {  	v3 =	vadd.f32 v21, v3;
	v2 =	vadd.f32 v23, v2;
	v22 =	vld [tilespmem:s26+$0x90]  }
0x2ae: {  	v1 =	vadd.f32 v20, v1;
	v0 =	vadd.f32 v24, v0;
	v21 =	vld [tilespmem:s26+$0xA0]  }
0x2af: {  	v3 =	vadd.f32 v18, v3;
	v2 =	vadd.f32 v19, v2;
	v20 =	vld [tilespmem:s26+$0xB0]  }
0x2b0: {  	v1 =	vadd.f32 v15, v1;
	v0 =	vadd.f32 v14, v0;
	v18 =	vld [tilespmem:s26+$0xC0]  }
0x2b1: {  	v19 =	vld [tilespmem:s26+$0xD0]  }
0x2b2: {  	v23 =	vld [tilespmem:s26+$0xE0]  }
0x2b3: {  	v24 =	vld [tilespmem:s26+$0xF0]  }
0x2b4: {  	v25 =	vld [tilespmem:s26+$0x480]  }
0x2b5: {  	v29 =	vld [tilespmem:s26+$0x490]  }
0x2b6: {  	v30 =	vld [tilespmem:s26+$0x4A0]  }
0x2b7: {  	v31 =	vld [tilespmem:s26+$0x4B0]  }
0x2b8: {  	v32 =	vld [tilespmem:s26+$0x4C0]  }
0x2b9: {  	v33 =	vld [tilespmem:s26+$0x4D0]  }
0x2ba: {  	v15 =	vld [tilespmem:s26+$0x4E0]  }
0x2bb: {  	v14 =	vld [tilespmem:s26+$0x4F0]  }
0x2bc: {  	v34 =	vld [tilespmem:s26+$0x10]  }
0x2bd: {  	v35 =	vld [tilespmem:s26+$0x20]  }
0x2be: {  	v36 =	vld [tilespmem:s26+$0x30]  }
0x2bf: {  	v37 =	vld [tilespmem:s26+$0x40]  }
0x2c0: {  	v38 =	vld [tilespmem:s26+$0x50]  }
0x2c1: {  	v39 =	vld [tilespmem:s26+$0x60]  }
0x2c2: {  	v40 =	vld [tilespmem:s26+$0x70]  }
0x2c3: {  	v41 =	vld [tilespmem:s26+$0x400]  }
0x2c4: {  	v42 =	vld [tilespmem:s26+$0x410]  }
0x2c5: {  	v43 =	vld [tilespmem:s26+$0x420]  }
0x2c6: {  	v44 =	vld [tilespmem:s26+$0x430]  }
0x2c7: {  	v45 =	vld [tilespmem:s26+$0x440]  }
0x2c8: {  	v46 =	vld [tilespmem:s26+$0x450]  }
0x2c9: {  	v47 =	vld [tilespmem:s26+$0x460]  }
0x2ca: {  	v48 =	vld [tilespmem:s26+$0x470]  }
0x2cb: {  	v26 =	vld.idx.msk [tilespmem:v26+s3+$0x0], $0xffff  }
0x2cc: {  	v49 =	vld.idx.msk [tilespmem:v27+s3+$0x0], $0xffff  }
0x2cd: {  	v50 =	vld.idx.msk [tilespmem:v22+s3+$0x0], $0xffff  }
0x2ce: {  	v21 =	vld.idx.msk [tilespmem:v21+s3+$0x0], $0xffff  }
0x2cf: {  	v20 =	vld.idx.msk [tilespmem:v20+s3+$0x0], $0xffff  }
0x2d0: {  	v51 =	vld.idx.msk [tilespmem:v18+s3+$0x0], $0xffff  }
0x2d1: {  	v52 =	vld.idx.msk [tilespmem:v19+s3+$0x0], $0xffff  }
0x2d2: {  	v53 =	vld.idx.msk [tilespmem:v23+s3+$0x0], $0xffff  }
0x2d3: {  	v54 =	vld.idx.msk [tilespmem:v24+s3+$0x0], $0xffff  }
0x2d4: {  	v28 =	vld.idx.msk [tilespmem:v25+s3+$0x0], $0xffff  }
0x2d5: {  	v27 =	vld.idx.msk [tilespmem:v29+s3+$0x0], $0xffff  }
0x2d6: {  	v25 =	vld.idx.msk [tilespmem:v30+s3+$0x0], $0xffff  }
0x2d7: {  	v22 =	vld.idx.msk [tilespmem:v31+s3+$0x0], $0xffff  }
0x2d8: {  	v18 =	vld.idx.msk [tilespmem:v32+s3+$0x0], $0xffff  }
0x2d9: {  	v19 =	vld.idx.msk [tilespmem:v33+s3+$0x0], $0xffff  }
0x2da: {  	v23 =	vld.idx.msk [tilespmem:v34+s3+$0x0], $0xffff  }
0x2db: {  	v24 =	vld.idx.msk [tilespmem:v35+s3+$0x0], $0xffff  }
0x2dc: {  	v30 =	vld.idx.msk [tilespmem:v36+s3+$0x0], $0xffff  }
0x2dd: {  	s23 =	sadd.s32 $0x2, s23;
	v32 =	vld.idx.msk [tilespmem:v37+s3+$0x0], $0xffff  }
0x2de: {  	p0 =	slt.u32 s23, $0x26;
	v33 =	vld.idx.msk [tilespmem:v38+s3+$0x0], $0xffff  }
0x2df: {  	v34 =	vld.idx.msk [tilespmem:v39+s3+$0x0], $0xffff  }
0x2e0: {  	v35 =	vld.idx.msk [tilespmem:v40+s3+$0x0], $0xffff  }
0x2e1: {  	v16 =	vadd.f32 v26, v16;
	v8 =	vadd.f32 v23, v8;
	v29 =	vld.idx.msk [tilespmem:v41+s3+$0x0], $0xffff  }
0x2e2: {  	v9 =	vadd.f32 v24, v9;
	v7 =	vadd.f32 v30, v7;
	v31 =	vld.idx.msk [tilespmem:v42+s3+$0x0], $0xffff  }
0x2e3: {  	v16 =	vadd.f32 v49, v16;
	v8 =	vadd.f32 v50, v8;
	v26 =	vld.idx.msk [tilespmem:v43+s3+$0x0], $0xffff  }
.Ltmp4:
0x2e4: {  	v9 =	vadd.f32 v21, v9;
	v7 =	vadd.f32 v20, v7;
	v30 =	vld.idx.msk [tilespmem:v44+s3+$0x0], $0xffff;
	(pc) =	sbr.rel @p0 .LBB2_10-.Ltmp4, $4  }
0x2e5: {  	v17 =	vadd.f32 v32, v17;
	v11 =	vadd.f32 v33, v11;
	v21 =	vld.idx.msk [tilespmem:v45+s3+$0x0], $0xffff  }
0x2e6: {  	v10 =	vadd.f32 v34, v10;
	v6 =	vadd.f32 v35, v6;
	v23 =	vld.idx.msk [tilespmem:v46+s3+$0x0], $0xffff  }
0x2e7: {  	v17 =	vadd.f32 v51, v17;
	v11 =	vadd.f32 v52, v11;
	v20 =	vld.idx.msk [tilespmem:v47+s3+$0x0], $0xffff  }
0x2e8: {  	s24 =	sadd.s32 $0x100, s24;
	s25 =	sadd.s32 $0x200, s25;
	v10 =	vadd.f32 v53, v10;
	v6 =	vadd.f32 v54, v6;
	v24 =	vld.idx.msk [tilespmem:v48+s3+$0x0], $0xffff  }
0x2e9: {  	_ =	sdelay $0x2  }
0x2ea: {  	v16 =	vmul.f32 $4.999999890e-03, v16  }
0x2eb: {  	v15 =	vld.idx.msk [tilespmem:v15+s3+$0x0], $0xffff;
	v8 =	vmul.f32 $4.999999890e-03, v8  }
0x2ec: {  	v14 =	vld.idx.msk [tilespmem:v14+s3+$0x0], $0xffff;
	v9 =	vmul.f32 $4.999999890e-03, v9;
	[tilespmem:$0x1F900] =	vst v16  }
0x2ed: {  	v7 =	vmul.f32 $4.999999890e-03, v7;
	[tilespmem:$0x1F910] =	vst v8  }
0x2ee: {  	v57 =	vadd.f32 v29, v13;
	v58 =	vmul.f32 $4.999999890e-03, v17;
	[tilespmem:$0x1F920] =	vst v9  }
0x2ef: {  	v12 =	vadd.f32 v31, v12;
	v59 =	vmul.f32 $4.999999890e-03, v11;
	[tilespmem:$0x1F930] =	vst v7  }
0x2f0: {  	v5 =	vadd.f32 v26, v5;
	v60 =	vmul.f32 $4.999999890e-03, v10;
	v8 =	vadd.f32 v28, v57;
	[tilespmem:$0x1F940] =	vst v58  }
0x2f1: {  	v4 =	vadd.f32 v30, v4;
	v6 =	vmul.f32 $4.999999890e-03, v6;
	v61 =	vadd.f32 v27, v12;
	[tilespmem:$0x1F950] =	vst v59  }
0x2f2: {  	v3 =	vadd.f32 v21, v3;
	v5 =	vadd.f32 v25, v5;
	[tilespmem:$0x1F960] =	vst v60;
	v62 =	vmul.f32 $4.999999890e-03, v8  }
0x2f3: {  	v4 =	vadd.f32 v22, v4;
	v2 =	vadd.f32 v23, v2;
	[tilespmem:$0x1F970] =	vst v6;
	v63 =	vmul.f32 $4.999999890e-03, v61  }
0x2f4: {  	v1 =	vadd.f32 v20, v1;
	v3 =	vadd.f32 v18, v3;
	v5 =	vmul.f32 $4.999999890e-03, v5;
	[tilespmem:$0x1F980] =	vst v62  }
0x2f5: {  	v0 =	vadd.f32 v24, v0;
	v2 =	vadd.f32 v19, v2;
	v4 =	vmul.f32 $4.999999890e-03, v4;
	[tilespmem:$0x1F990] =	vst v63  }
0x2f6: {  	v1 =	vadd.f32 v15, v1;
	v3 =	vmul.f32 $4.999999890e-03, v3;
	[tilespmem:$0x1F9A0] =	vst v5  }
0x2f7: {  	v0 =	vadd.f32 v14, v0;
	[tilespmem:$0x1F9B0] =	vst v4;
	v2 =	vmul.f32 $4.999999890e-03, v2  }
0x2f8: {  	[tilespmem:$0x1F9C0] =	vst v3;
	v1 =	vmul.f32 $4.999999890e-03, v1  }
0x2f9: {  	s22 =	sadd.s32 $0x1, s22;
	[tilespmem:$0x1F9D0] =	vst v2;
	v0 =	vmul.f32 $4.999999890e-03, v0  }
0x2fa: {  	p0 =	sne.s32 s22, s12;
	[tilespmem:$0x1F9E0] =	vst v1  }
.Ltmp5:
0x2fb: {  	[tilespmem:$0x1F9F0] =	vst v0;
	(pc) =	sbr.rel @p0 .LBB2_1-.Ltmp5, $4  }
0x2fc: {  	[hbm4b:s11+s3] =	stream.linear.scatter [tilespmem:s21], [sflag:$0x3], $0x100, $0x38;
	[tilespmem:$0x1FA00] =	vst v63  }
0x2fd: {  	_ =	swait.ge [sflag:s17], $0x100  }
0x2fe: {  	[sflag:s17] =	ssyncset.done $0x0  }
0x2ff: {  	[sflag:s17] =	ssyncadd.s32 $0xFFFFFF00  }
0x300: {  	_ =	sfence.sel $0x180000  }
0x301: {  	[bflag:$0x0] =	sbarrier.arrive $0xFFFF  }
0x302: {  	p0 =	sne.s32 s1, $0x0;
	_ =	strace $0x90000047  }
0x303: {  	s0 =	sadd.s32 @!p0 $0x100000, s0;
	[bflag:$0x2] =	sbarrier.arrive $0xFFFF  }
0x304: {  	[sflag:s0] =	ssyncadd.tile.s32 @!p0 $0x1;
	_ =	shalt  }
.Lfunc_end2:
_tile_overlayer_lowered:
.L_overlay_start_2:
0x305: {  	(tag) =	ssettag $0x2  }
0x306: {  	s0 =	rddreg [dreg:$0x0];
	s2 =	stileid.u32  }
0x307: {  	s1 =	rddreg [dreg:$0x1];
	p0 =	sne.s32 s2, $0x0  }
0x308: {  	s3 =	rddreg [dreg:$0x2];
	[bflag:$0x3] =	sbarrier.arrive $0xFFFF;
	s2 =	simm.s32 @!p0 $0x1C03  }
0x309: {  	[timem:s3], [sflag:s2] =	dma.local @!p0 [hbm:s0], s1  }
0x30a: {  	s0 =	simm.s32 @!p0 $0x3  }
0x30b: {  	_ =	swait.ge @!p0 [sflag:s0], s1  }
0x30c: {  	s1 =	ssub.s32 @!p0 $0x0, s1;
	[sflag:s0] =	ssyncset.done @!p0 $0x0  }
0x30d: {  	[sflag:s0] =	ssyncadd.s32 @!p0 s1  }
0x30e: {  	[bflag:$0x3] =	sbarrier.arrive $0xFFFF  }
0x30f: {  	_ =	shalt  }

</sc_bundles>
